<compile_context>
chip_gen: v7x
topology: tpu7x:2x2x1
jax: 0.10.2.dev20260603
libtpu: 0.0.44.dev20260713+nightly
codegen_flags: <defaults>
</compile_context>

<pallas_src>
import functools

import jax
import jax.numpy as jnp
from jax import lax
from jax.experimental import pallas as pl
from jax.experimental.pallas import tpu as pltpu
from jax.experimental.pallas import tpu_sc as plsc

_N = 10000
_D = 128
_E = 320000

_NC = 2
_NS = 16
_NW = _NC * _NS
_EPW = _E // _NW
_K = 80
_CH = _EPW // _K

_EK = 100
_ENST = 2
_ECS = _EPW // (_EK * _ENST)
_NR = 10240
_RPT = _NR // _NS
_ZR = 128

_NP = 10240
_DW = 128
_DPT = _NP // _NS

_mesh = plsc.VectorSubcoreMesh(
    core_axis_name="c", subcore_axis_name="s", num_cores=_NC, num_subcores=_NS
)



@functools.partial(
    pl.kernel,
    out_type=jax.ShapeDtypeStruct((_NC, _NP, _DW), jnp.float32),
    mesh=_mesh,
    scratch_types=[
        pltpu.VMEM_SHARED((_NP, _DW), jnp.float32),
        pltpu.VMEM((_CH, _K), jnp.int32),
        pltpu.VMEM((_K, _DW), jnp.float32),
        pltpu.SemaphoreType.DMA,
    ],
)
def _deg_kernel(dst_hbm, ones_hbm, zeros_hbm, out_hbm, acc, didx, ones_v, sem):
    cc = lax.axis_index("c")
    sid = lax.axis_index("s")
    wid = sid * _NC + cc
    pltpu.sync_copy(ones_hbm, ones_v)
    pltpu.sync_copy(dst_hbm.at[wid], didx)
    pltpu.sync_copy(zeros_hbm, acc.at[pl.ds(sid * _DPT, _DPT)])
    plsc.subcore_barrier()

    def block(bi, carry):
        def fire(ci, carry2):
            pltpu.async_copy(ones_v, acc.at[didx.at[bi * 25 + ci]], sem,
                             add=True)
            return carry2

        lax.fori_loop(0, 25, fire, 0)

        def drain(ci, carry2):
            pltpu.make_async_copy(ones_v, acc.at[didx.at[0]], sem).wait()
            return carry2

        lax.fori_loop(0, 25, drain, 0)
        return carry

    lax.fori_loop(0, _CH // 25, block, 0)
    plsc.subcore_barrier()
    pltpu.sync_copy(
        acc.at[pl.ds(sid * _DPT, _DPT)],
        out_hbm.at[cc, pl.ds(sid * _DPT, _DPT)],
    )


@functools.partial(
    pl.kernel,
    out_type=jax.ShapeDtypeStruct((_NC, _NR, _D), jnp.float32),
    mesh=_mesh,
    scratch_types=[
        pltpu.VMEM_SHARED((_NR, _D), jnp.float32),
        pltpu.VMEM((_ECS, _EK), jnp.int32),
        pltpu.VMEM((_ECS, _EK), jnp.int32),
        pltpu.VMEM((_EK, _D), jnp.float32),
        pltpu.VMEM((_EK, _D), jnp.float32),
        pltpu.SemaphoreType.DMA,
        pltpu.SemaphoreType.DMA,
        pltpu.SemaphoreType.DMA,
        pltpu.SemaphoreType.DMA,
    ],
)
def _edge_kernel(src_hbm, dst_hbm, zeros_hbm, g_hbm, out_hbm,
                 acc, sidx, didx, rows_a, rows_b, sem_ga, sem_gb, sem_sa, sem_sb):
    cc = lax.axis_index("c")
    sid = lax.axis_index("s")
    wid = sid * _NC + cc
    pltpu.sync_copy(zeros_hbm, acc.at[pl.ds(sid * _RPT, _RPT)])
    plsc.subcore_barrier()

    def wait_g(sem, buf):
        pltpu.make_async_copy(g_hbm.at[sidx.at[0]], buf, sem).wait()

    def wait_s(sem, buf):
        pltpu.make_async_copy(buf, acc.at[didx.at[0]], sem).wait()

    def stage(si, carry):
        pltpu.sync_copy(src_hbm.at[wid, si], sidx)
        pltpu.sync_copy(dst_hbm.at[wid, si], didx)
        pltpu.async_copy(g_hbm.at[sidx.at[0]], rows_a, sem_ga)
        pltpu.async_copy(g_hbm.at[sidx.at[1]], rows_b, sem_gb)

        def body(p, carry2):
            i = 2 * p
            wait_g(sem_ga, rows_a)
            pltpu.async_copy(rows_a, acc.at[didx.at[i]], sem_sa, add=True)
            wait_g(sem_gb, rows_b)
            pltpu.async_copy(rows_b, acc.at[didx.at[i + 1]], sem_sb, add=True)
            wait_s(sem_sa, rows_a)
            pltpu.async_copy(g_hbm.at[sidx.at[i + 2]], rows_a, sem_ga)
            wait_s(sem_sb, rows_b)
            pltpu.async_copy(g_hbm.at[sidx.at[i + 3]], rows_b, sem_gb)
            return carry2

        lax.fori_loop(0, _ECS // 2 - 1, body, 0)
        wait_g(sem_ga, rows_a)
        pltpu.async_copy(rows_a, acc.at[didx.at[_ECS - 2]], sem_sa, add=True)
        wait_g(sem_gb, rows_b)
        pltpu.async_copy(rows_b, acc.at[didx.at[_ECS - 1]], sem_sb, add=True)
        wait_s(sem_sa, rows_a)
        wait_s(sem_sb, rows_b)
        return carry

    lax.fori_loop(0, _ENST, stage, 0)
    plsc.subcore_barrier()
    pltpu.sync_copy(
        acc.at[pl.ds(sid * _RPT, _RPT)],
        out_hbm.at[cc, pl.ds(sid * _RPT, _RPT)],
    )



def _dinv(deg_ref):
    return lax.rsqrt(deg_ref[0, :_N, :] + deg_ref[1, :_N, :] + 1.0)


def _mm1_body(x_ref, w_ref, deg_ref, out_ref):
    hw = jnp.dot(x_ref[...], w_ref[...], preferred_element_type=jnp.float32)
    out_ref[...] = hw * _dinv(deg_ref)


def _mid_body(s_ref, g_ref, deg_ref, b_ref, w_ref, out_ref):
    dinv = _dinv(deg_ref)
    h = (s_ref[0, :_N, :] + s_ref[1, :_N, :] + g_ref[...]) * dinv + b_ref[...]
    h = jnp.maximum(h, 0.0)
    hw = jnp.dot(h, w_ref[...], preferred_element_type=jnp.float32)
    out_ref[...] = hw * dinv


def _final_body(s_ref, g_ref, deg_ref, b_ref, out_ref):
    dinv = _dinv(deg_ref)
    h = (s_ref[0, :_N, :] + s_ref[1, :_N, :] + g_ref[...]) * dinv + b_ref[...]
    h = jnp.maximum(h, 0.0)
    nrm = jnp.sqrt(jnp.sum(h * h, axis=1, keepdims=True))
    out_ref[...] = h / (nrm + 1e-12)


_f32_out = jax.ShapeDtypeStruct((_N, _D), jnp.float32)
_mm1 = pl.pallas_call(_mm1_body, out_shape=_f32_out)
_mid = pl.pallas_call(_mid_body, out_shape=_f32_out)
_final = pl.pallas_call(_final_body, out_shape=_f32_out)



@jax.jit
def _impl(x, edge_index, W0, b0, W1, b1):
    src = edge_index[0].astype(jnp.int32)
    dst = edge_index[1].astype(jnp.int32)
    dst3 = dst.reshape(_NW, _CH, _K)
    src4 = src.reshape(_NW, _ENST, _ECS, _EK)
    dst4 = dst.reshape(_NW, _ENST, _ECS, _EK)
    ones = jnp.ones((_K, _DW), jnp.float32)
    dzeros = jnp.zeros((_DPT, _DW), jnp.float32)
    rzeros = jnp.zeros((_RPT, _D), jnp.float32)

    degp = _deg_kernel(dst3, ones, dzeros)
    b0r = b0.reshape(1, _D)
    b1r = b1.reshape(1, _D)

    g0 = _mm1(x, W0, degp)
    s0 = _edge_kernel(src4, dst4, rzeros, g0)
    g1 = _mid(s0, g0, degp, b0r, W1)
    s1 = _edge_kernel(src4, dst4, rzeros, g1)
    return _final(s1, g1, degp, b1r)


def kernel(x, edge_index, W0, b0, W1, b1):
    return _impl(x, edge_index, W0, b0, W1, b1)

# --- scband reference (transcript-rebuilt; emitter-appended) ---
"""Pipeline reference for scband-gnnstack-stage-67310727462925 (READ-ONLY COPY).

The authoritative reference and input builder live on the scoring server;
editing this copy changes nothing except your own understanding.
"""

import jax, jax.numpy as jnp
import numpy as np

N = 10000
E = 320000
D = 128


def setup_inputs(seed: int = 0) -> dict:
    key = jax.random.key(seed)
    k1, k2, k3, k4 = jax.random.split(key, 4)
    x = jax.random.normal(k1, (N, D), dtype=jnp.float32)
    edge_index = jax.random.randint(k2, (2, E), 0, N).astype(jnp.int64)
    W0 = jax.random.normal(k3, (D, D), dtype=jnp.float32) * 0.05
    b0 = jnp.zeros((D,), dtype=jnp.float32)
    W1 = jax.random.normal(k4, (D, D), dtype=jnp.float32) * 0.05
    b1 = jnp.zeros((D,), dtype=jnp.float32)
    return {"x": x, "edge_index": edge_index, "W0": W0, "b0": b0, "W1": W1, "b1": b1}


def _gcn_layer(h, W, b, src, dst, n):
    # GCNConv with added self-loops and symmetric normalization (GraphGym 'gcnconv'),
    # followed by ReLU activation (GeneralLayer, bn off, dropout=0.0).
    loop = jnp.arange(n, dtype=src.dtype)
    s = jnp.concatenate([src, loop], axis=0)
    d = jnp.concatenate([dst, loop], axis=0)
    deg = jax.ops.segment_sum(jnp.ones(s.shape[0], dtype=h.dtype), d, num_segments=n)
    dinv = jax.lax.rsqrt(jnp.maximum(deg, 1.0))
    norm = dinv[s] * dinv[d]
    hW = h @ W
    msg = hW[s] * norm[:, None]
    out = jax.ops.segment_sum(msg, d, num_segments=n) + b
    return jax.nn.relu(out)


def reference(x, edge_index, W0, b0, W1, b1):
    src = edge_index[0]
    dst = edge_index[1]
    n = x.shape[0]
    h = _gcn_layer(x, W0, b0, src, dst, n)
    h = _gcn_layer(h, W1, b1, src, dst, n)
    # has_l2norm: F.normalize(h, p=2, dim=-1)
    h = h / (jnp.linalg.norm(h, axis=-1, keepdims=True) + 1e-12)
    return h

if __name__ == "__main__":
    import jax
    _d = setup_inputs()
    print(jax.jit(kernel)(*tuple(_d.values())))

</pallas_src>

<mosaic_0001>
#map = affine_map<(d0, d1) -> (0, 0, 0, 0)>
#map1 = affine_map<(d0, d1) -> (0, 0)>
#map2 = affine_map<(d0, d1) -> (0, 0, 0)>
module attributes {stable_mosaic.version = 14 : i64} {
  func.func @_edge_kernel(%arg0: i32, %arg1: i32, %arg2: memref<32x2x50x100xi32, #tpu.memory_space<hbm>>, %arg3: memref<32x2x50x100xi32, #tpu.memory_space<hbm>>, %arg4: memref<640x128xf32, #tpu.memory_space<hbm>>, %arg5: memref<10000x128xf32, #tpu.memory_space<hbm>>, %arg6: memref<2x10240x128xf32, #tpu.memory_space<hbm>>, %arg7: memref<10240x128xf32, #tpu.memory_space<vmem_shared>>, %arg8: memref<50x100xi32, #tpu.memory_space<vmem>>, %arg9: memref<50x100xi32, #tpu.memory_space<vmem>>, %arg10: memref<100x128xf32, #tpu.memory_space<vmem>>, %arg11: memref<100x128xf32, #tpu.memory_space<vmem>>, %arg12: memref<!tpu.dma_semaphore, #tpu.memory_space<semaphore_mem>>, %arg13: memref<!tpu.dma_semaphore, #tpu.memory_space<semaphore_mem>>, %arg14: memref<!tpu.dma_semaphore, #tpu.memory_space<semaphore_mem>>, %arg15: memref<!tpu.dma_semaphore, #tpu.memory_space<semaphore_mem>>) attributes {dimension_semantics = [#tpu.dimension_semantics<core_parallel>, #tpu.dimension_semantics<subcore_parallel>], iteration_bounds = array<i64: 2, 16>, scalar_prefetch = 0 : i64, scratch_operands = 9 : i64, tpu.core_type = #tpu.core_type<sc_vector_subcore>, window_params = [{transform_indices = #map}, {transform_indices = #map}, {transform_indices = #map1}, {transform_indices = #map1}, {transform_indices = #map2}]} {
    %mul3A = arith.constant 2 : i32
    %mul3A_0 = arith.muli %arg1, %mul3A : i32
    %add3A = arith.addi %mul3A_0, %arg0 : i32
    %mul3A_1 = arith.constant 640 : i32
    %mul3A_2 = arith.muli %arg1, %mul3A_1 : i32
    "tpu.region"() ({
      %run_scoped3A = tpu.sem_alloc : memref<!tpu.dma_semaphore, #tpu.memory_space<semaphore_mem>>
      %dma_start3A = arith.constant 0 : i32
      %dma_start3A_13 = tpu.memref_slice %arg7[%mul3A_2, %dma_start3A] : memref<10240x128xf32, #tpu.memory_space<vmem_shared>> -> memref<640x128xf32, #tpu.memory_space<vmem_shared>>
      tpu.enqueue_dma source(%arg4 : memref<640x128xf32, #tpu.memory_space<hbm>>) target(%dma_start3A_13 : memref<640x128xf32, #tpu.memory_space<vmem_shared>>) target_semaphore(%run_scoped3A : memref<!tpu.dma_semaphore, #tpu.memory_space<semaphore_mem>>)
      %dma_wait3A = arith.constant 0 : i32
      %dma_wait3A_14 = tpu.memref_slice %arg7[%mul3A_2, %dma_wait3A] : memref<10240x128xf32, #tpu.memory_space<vmem_shared>> -> memref<640x128xf32, #tpu.memory_space<vmem_shared>>
      tpu.wait_dma2 semaphore(%run_scoped3A : memref<!tpu.dma_semaphore, #tpu.memory_space<semaphore_mem>>) src(%arg4 : memref<640x128xf32, #tpu.memory_space<hbm>>) dst(%dma_wait3A_14 : memref<640x128xf32, #tpu.memory_space<vmem_shared>>)
      tpu.yield
    }) : () -> ()
    %barrier3A = arith.constant 0 : index
    tpu.barrier barrier_id(%barrier3A)
    %scan3A = arith.constant 0 : i32
    %scan3A_3 = arith.constant 0 : i32
    %scan3A_4 = arith.constant 2 : i32
    %scan3A_5 = arith.addi %scan3A_3, %scan3A_4 : i32
    %scan3A_6 = arith.constant 1 : i32
    scf.for %scan3A_13 = %scan3A_3 to %scan3A_5 step %scan3A_6  : i32 {
      "tpu.region"() ({
        %run_scoped3A = tpu.sem_alloc : memref<!tpu.dma_semaphore, #tpu.memory_space<semaphore_mem>>
        %dma_start3A_74 = arith.constant 0 : i32
        %dma_start3A_75 = arith.constant 0 : i32
        %dma_start3A_76 = tpu.memref_slice %arg2[%add3A, %scan3A_13, %dma_start3A_74, %dma_start3A_75] : memref<32x2x50x100xi32, #tpu.memory_space<hbm>> -> memref<1x1x50x100xi32, #tpu.memory_space<hbm>>
        %dma_start3A_77 = tpu.memref_squeeze %dma_start3A_76 : memref<1x1x50x100xi32, #tpu.memory_space<hbm>> -> memref<50x100xi32, #tpu.memory_space<hbm>>
        %dma_start3A_78 = arith.constant 0 : i32
        %dma_start3A_79 = arith.constant 0 : i32
        %dma_start3A_80 = tpu.memref_slice %arg2[%add3A, %scan3A_13, %dma_start3A_78, %dma_start3A_79] : memref<32x2x50x100xi32, #tpu.memory_space<hbm>> -> memref<1x1x50x100xi32, #tpu.memory_space<hbm>>
        %dma_start3A_81 = tpu.memref_squeeze %dma_start3A_80 : memref<1x1x50x100xi32, #tpu.memory_space<hbm>> -> memref<50x100xi32, #tpu.memory_space<hbm>>
        tpu.enqueue_dma source(%dma_start3A_81 : memref<50x100xi32, #tpu.memory_space<hbm>>) target(%arg8 : memref<50x100xi32, #tpu.memory_space<vmem>>) target_semaphore(%run_scoped3A : memref<!tpu.dma_semaphore, #tpu.memory_space<semaphore_mem>>)
        %dma_wait3A_82 = arith.constant 0 : i32
        %dma_wait3A_83 = arith.constant 0 : i32
        %dma_wait3A_84 = tpu.memref_slice %arg2[%add3A, %scan3A_13, %dma_wait3A_82, %dma_wait3A_83] : memref<32x2x50x100xi32, #tpu.memory_space<hbm>> -> memref<1x1x50x100xi32, #tpu.memory_space<hbm>>
        %dma_wait3A_85 = tpu.memref_squeeze %dma_wait3A_84 : memref<1x1x50x100xi32, #tpu.memory_space<hbm>> -> memref<50x100xi32, #tpu.memory_space<hbm>>
        %dma_wait3A_86 = arith.constant 0 : i32
        %dma_wait3A_87 = arith.constant 0 : i32
        %dma_wait3A_88 = tpu.memref_slice %arg2[%add3A, %scan3A_13, %dma_wait3A_86, %dma_wait3A_87] : memref<32x2x50x100xi32, #tpu.memory_space<hbm>> -> memref<1x1x50x100xi32, #tpu.memory_space<hbm>>
        %dma_wait3A_89 = tpu.memref_squeeze %dma_wait3A_88 : memref<1x1x50x100xi32, #tpu.memory_space<hbm>> -> memref<50x100xi32, #tpu.memory_space<hbm>>
        tpu.wait_dma2 semaphore(%run_scoped3A : memref<!tpu.dma_semaphore, #tpu.memory_space<semaphore_mem>>) src(%dma_wait3A_89 : memref<50x100xi32, #tpu.memory_space<hbm>>) dst(%arg8 : memref<50x100xi32, #tpu.memory_space<vmem>>)
        tpu.yield
      }) : () -> ()
      "tpu.region"() ({
        %run_scoped3A = tpu.sem_alloc : memref<!tpu.dma_semaphore, #tpu.memory_space<semaphore_mem>>
        %dma_start3A_74 = arith.constant 0 : i32
        %dma_start3A_75 = arith.constant 0 : i32
        %dma_start3A_76 = tpu.memref_slice %arg3[%add3A, %scan3A_13, %dma_start3A_74, %dma_start3A_75] : memref<32x2x50x100xi32, #tpu.memory_space<hbm>> -> memref<1x1x50x100xi32, #tpu.memory_space<hbm>>
        %dma_start3A_77 = tpu.memref_squeeze %dma_start3A_76 : memref<1x1x50x100xi32, #tpu.memory_space<hbm>> -> memref<50x100xi32, #tpu.memory_space<hbm>>
        %dma_start3A_78 = arith.constant 0 : i32
        %dma_start3A_79 = arith.constant 0 : i32
        %dma_start3A_80 = tpu.memref_slice %arg3[%add3A, %scan3A_13, %dma_start3A_78, %dma_start3A_79] : memref<32x2x50x100xi32, #tpu.memory_space<hbm>> -> memref<1x1x50x100xi32, #tpu.memory_space<hbm>>
        %dma_start3A_81 = tpu.memref_squeeze %dma_start3A_80 : memref<1x1x50x100xi32, #tpu.memory_space<hbm>> -> memref<50x100xi32, #tpu.memory_space<hbm>>
        tpu.enqueue_dma source(%dma_start3A_81 : memref<50x100xi32, #tpu.memory_space<hbm>>) target(%arg9 : memref<50x100xi32, #tpu.memory_space<vmem>>) target_semaphore(%run_scoped3A : memref<!tpu.dma_semaphore, #tpu.memory_space<semaphore_mem>>)
        %dma_wait3A_82 = arith.constant 0 : i32
        %dma_wait3A_83 = arith.constant 0 : i32
        %dma_wait3A_84 = tpu.memref_slice %arg3[%add3A, %scan3A_13, %dma_wait3A_82, %dma_wait3A_83] : memref<32x2x50x100xi32, #tpu.memory_space<hbm>> -> memref<1x1x50x100xi32, #tpu.memory_space<hbm>>
        %dma_wait3A_85 = tpu.memref_squeeze %dma_wait3A_84 : memref<1x1x50x100xi32, #tpu.memory_space<hbm>> -> memref<50x100xi32, #tpu.memory_space<hbm>>
        %dma_wait3A_86 = arith.constant 0 : i32
        %dma_wait3A_87 = arith.constant 0 : i32
        %dma_wait3A_88 = tpu.memref_slice %arg3[%add3A, %scan3A_13, %dma_wait3A_86, %dma_wait3A_87] : memref<32x2x50x100xi32, #tpu.memory_space<hbm>> -> memref<1x1x50x100xi32, #tpu.memory_space<hbm>>
        %dma_wait3A_89 = tpu.memref_squeeze %dma_wait3A_88 : memref<1x1x50x100xi32, #tpu.memory_space<hbm>> -> memref<50x100xi32, #tpu.memory_space<hbm>>
        tpu.wait_dma2 semaphore(%run_scoped3A : memref<!tpu.dma_semaphore, #tpu.memory_space<semaphore_mem>>) src(%dma_wait3A_89 : memref<50x100xi32, #tpu.memory_space<hbm>>) dst(%arg9 : memref<50x100xi32, #tpu.memory_space<vmem>>)
        tpu.yield
      }) : () -> ()
      %dma_start3A = arith.constant 0 : i32
      %dma_start3A_14 = arith.constant 0 : i32
      %dma_start3A_15 = tpu.memref_slice %arg8[%dma_start3A, %dma_start3A_14] : memref<50x100xi32, #tpu.memory_space<vmem>> -> memref<1x100xi32, #tpu.memory_space<vmem>>
      %dma_start3A_16 = tpu.memref_squeeze %dma_start3A_15 : memref<1x100xi32, #tpu.memory_space<vmem>> -> memref<100xi32, #tpu.memory_space<vmem>>
      %dma_start3A_17 = arith.constant 0 : i32
      %dma_start3A_18 = arith.constant 0 : i32
      %dma_start3A_19 = tpu.memref_slice %arg5[%dma_start3A_17, %dma_start3A_18] : memref<10000x128xf32, #tpu.memory_space<hbm>> -> memref<10000x128xf32, #tpu.memory_space<hbm>>
      tpu.enqueue_indirect_dma source(%dma_start3A_19 : memref<10000x128xf32, #tpu.memory_space<hbm>>) target(%arg10 : memref<100x128xf32, #tpu.memory_space<vmem>>) offsets(%dma_start3A_16 : memref<100xi32, #tpu.memory_space<vmem>>) semaphore(%arg12 : memref<!tpu.dma_semaphore, #tpu.memory_space<semaphore_mem>>)
      %dma_start3A_20 = arith.constant 1 : i32
      %dma_start3A_21 = arith.constant 0 : i32
      %dma_start3A_22 = tpu.memref_slice %arg8[%dma_start3A_20, %dma_start3A_21] : memref<50x100xi32, #tpu.memory_space<vmem>> -> memref<1x100xi32, #tpu.memory_space<vmem>>
      %dma_start3A_23 = tpu.memref_squeeze %dma_start3A_22 : memref<1x100xi32, #tpu.memory_space<vmem>> -> memref<100xi32, #tpu.memory_space<vmem>>
      %dma_start3A_24 = arith.constant 0 : i32
      %dma_start3A_25 = arith.constant 0 : i32
      %dma_start3A_26 = tpu.memref_slice %arg5[%dma_start3A_24, %dma_start3A_25] : memref<10000x128xf32, #tpu.memory_space<hbm>> -> memref<10000x128xf32, #tpu.memory_space<hbm>>
      tpu.enqueue_indirect_dma source(%dma_start3A_26 : memref<10000x128xf32, #tpu.memory_space<hbm>>) target(%arg11 : memref<100x128xf32, #tpu.memory_space<vmem>>) offsets(%dma_start3A_23 : memref<100xi32, #tpu.memory_space<vmem>>) semaphore(%arg13 : memref<!tpu.dma_semaphore, #tpu.memory_space<semaphore_mem>>)
      %scan3A_27 = arith.constant 0 : i32
      %scan3A_28 = arith.constant 0 : i32
      %scan3A_29 = arith.constant 24 : i32
      %scan3A_30 = arith.addi %scan3A_28, %scan3A_29 : i32
      %scan3A_31 = arith.constant 1 : i32
      scf.for %scan3A_74 = %scan3A_28 to %scan3A_30 step %scan3A_31  : i32 {
        %mul3A_75 = arith.constant 2 : i32
        %mul3A_76 = arith.muli %mul3A_75, %scan3A_74 : i32
        %dma_wait3A_77 = arith.constant 0 : i32
        %dma_wait3A_78 = arith.constant 0 : i32
        %dma_wait3A_79 = tpu.memref_slice %arg8[%dma_wait3A_77, %dma_wait3A_78] : memref<50x100xi32, #tpu.memory_space<vmem>> -> memref<1x100xi32, #tpu.memory_space<vmem>>
        %dma_wait3A_80 = tpu.memref_squeeze %dma_wait3A_79 : memref<1x100xi32, #tpu.memory_space<vmem>> -> memref<100xi32, #tpu.memory_space<vmem>>
        %dma_wait3A_81 = arith.constant 0 : i32
        %dma_wait3A_82 = arith.constant 0 : i32
        %dma_wait3A_83 = tpu.memref_slice %arg5[%dma_wait3A_81, %dma_wait3A_82] : memref<10000x128xf32, #tpu.memory_space<hbm>> -> memref<10000x128xf32, #tpu.memory_space<hbm>>
        tpu.wait_indirect_dma semaphore(%arg12 : memref<!tpu.dma_semaphore, #tpu.memory_space<semaphore_mem>>) src(%dma_wait3A_83 : memref<10000x128xf32, #tpu.memory_space<hbm>>) dst(%arg10 : memref<100x128xf32, #tpu.memory_space<vmem>>)
        %dma_start3A_84 = arith.constant 0 : i32
        %dma_start3A_85 = tpu.memref_slice %arg9[%mul3A_76, %dma_start3A_84] : memref<50x100xi32, #tpu.memory_space<vmem>> -> memref<1x100xi32, #tpu.memory_space<vmem>>
        %dma_start3A_86 = tpu.memref_squeeze %dma_start3A_85 : memref<1x100xi32, #tpu.memory_space<vmem>> -> memref<100xi32, #tpu.memory_space<vmem>>
        %dma_start3A_87 = arith.constant 0 : i32
        %dma_start3A_88 = arith.constant 0 : i32
        %dma_start3A_89 = tpu.memref_slice %arg7[%dma_start3A_87, %dma_start3A_88] : memref<10240x128xf32, #tpu.memory_space<vmem_shared>> -> memref<10240x128xf32, #tpu.memory_space<vmem_shared>>
        tpu.enqueue_indirect_dma source(%arg10 : memref<100x128xf32, #tpu.memory_space<vmem>>) target(%dma_start3A_89 : memref<10240x128xf32, #tpu.memory_space<vmem_shared>>) offsets(%dma_start3A_86 : memref<100xi32, #tpu.memory_space<vmem>>) semaphore(%arg14 : memref<!tpu.dma_semaphore, #tpu.memory_space<semaphore_mem>>) {add = true}
        %dma_wait3A_90 = arith.constant 0 : i32
        %dma_wait3A_91 = arith.constant 0 : i32
        %dma_wait3A_92 = tpu.memref_slice %arg8[%dma_wait3A_90, %dma_wait3A_91] : memref<50x100xi32, #tpu.memory_space<vmem>> -> memref<1x100xi32, #tpu.memory_space<vmem>>
        %dma_wait3A_93 = tpu.memref_squeeze %dma_wait3A_92 : memref<1x100xi32, #tpu.memory_space<vmem>> -> memref<100xi32, #tpu.memory_space<vmem>>
        %dma_wait3A_94 = arith.constant 0 : i32
        %dma_wait3A_95 = arith.constant 0 : i32
        %dma_wait3A_96 = tpu.memref_slice %arg5[%dma_wait3A_94, %dma_wait3A_95] : memref<10000x128xf32, #tpu.memory_space<hbm>> -> memref<10000x128xf32, #tpu.memory_space<hbm>>
        tpu.wait_indirect_dma semaphore(%arg13 : memref<!tpu.dma_semaphore, #tpu.memory_space<semaphore_mem>>) src(%dma_wait3A_96 : memref<10000x128xf32, #tpu.memory_space<hbm>>) dst(%arg11 : memref<100x128xf32, #tpu.memory_space<vmem>>)
        %add3A_97 = arith.constant 1 : i32
        %add3A_98 = arith.addi %mul3A_76, %add3A_97 : i32
        %dma_start3A_99 = arith.constant 0 : i32
        %dma_start3A_100 = tpu.memref_slice %arg9[%add3A_98, %dma_start3A_99] : memref<50x100xi32, #tpu.memory_space<vmem>> -> memref<1x100xi32, #tpu.memory_space<vmem>>
        %dma_start3A_101 = tpu.memref_squeeze %dma_start3A_100 : memref<1x100xi32, #tpu.memory_space<vmem>> -> memref<100xi32, #tpu.memory_space<vmem>>
        %dma_start3A_102 = arith.constant 0 : i32
        %dma_start3A_103 = arith.constant 0 : i32
        %dma_start3A_104 = tpu.memref_slice %arg7[%dma_start3A_102, %dma_start3A_103] : memref<10240x128xf32, #tpu.memory_space<vmem_shared>> -> memref<10240x128xf32, #tpu.memory_space<vmem_shared>>
        tpu.enqueue_indirect_dma source(%arg11 : memref<100x128xf32, #tpu.memory_space<vmem>>) target(%dma_start3A_104 : memref<10240x128xf32, #tpu.memory_space<vmem_shared>>) offsets(%dma_start3A_101 : memref<100xi32, #tpu.memory_space<vmem>>) semaphore(%arg15 : memref<!tpu.dma_semaphore, #tpu.memory_space<semaphore_mem>>) {add = true}
        %dma_wait3A_105 = arith.constant 0 : i32
        %dma_wait3A_106 = arith.constant 0 : i32
        %dma_wait3A_107 = tpu.memref_slice %arg9[%dma_wait3A_105, %dma_wait3A_106] : memref<50x100xi32, #tpu.memory_space<vmem>> -> memref<1x100xi32, #tpu.memory_space<vmem>>
        %dma_wait3A_108 = tpu.memref_squeeze %dma_wait3A_107 : memref<1x100xi32, #tpu.memory_space<vmem>> -> memref<100xi32, #tpu.memory_space<vmem>>
        %dma_wait3A_109 = arith.constant 0 : i32
        %dma_wait3A_110 = arith.constant 0 : i32
        %dma_wait3A_111 = tpu.memref_slice %arg7[%dma_wait3A_109, %dma_wait3A_110] : memref<10240x128xf32, #tpu.memory_space<vmem_shared>> -> memref<10240x128xf32, #tpu.memory_space<vmem_shared>>
        tpu.wait_indirect_dma semaphore(%arg14 : memref<!tpu.dma_semaphore, #tpu.memory_space<semaphore_mem>>) src(%arg10 : memref<100x128xf32, #tpu.memory_space<vmem>>) dst(%dma_wait3A_111 : memref<10240x128xf32, #tpu.memory_space<vmem_shared>>)
        %add3A_112 = arith.constant 2 : i32
        %add3A_113 = arith.addi %mul3A_76, %add3A_112 : i32
        %dma_start3A_114 = arith.constant 0 : i32
        %dma_start3A_115 = tpu.memref_slice %arg8[%add3A_113, %dma_start3A_114] : memref<50x100xi32, #tpu.memory_space<vmem>> -> memref<1x100xi32, #tpu.memory_space<vmem>>
        %dma_start3A_116 = tpu.memref_squeeze %dma_start3A_115 : memref<1x100xi32, #tpu.memory_space<vmem>> -> memref<100xi32, #tpu.memory_space<vmem>>
        %dma_start3A_117 = arith.constant 0 : i32
        %dma_start3A_118 = arith.constant 0 : i32
        %dma_start3A_119 = tpu.memref_slice %arg5[%dma_start3A_117, %dma_start3A_118] : memref<10000x128xf32, #tpu.memory_space<hbm>> -> memref<10000x128xf32, #tpu.memory_space<hbm>>
        tpu.enqueue_indirect_dma source(%dma_start3A_119 : memref<10000x128xf32, #tpu.memory_space<hbm>>) target(%arg10 : memref<100x128xf32, #tpu.memory_space<vmem>>) offsets(%dma_start3A_116 : memref<100xi32, #tpu.memory_space<vmem>>) semaphore(%arg12 : memref<!tpu.dma_semaphore, #tpu.memory_space<semaphore_mem>>)
        %dma_wait3A_120 = arith.constant 0 : i32
        %dma_wait3A_121 = arith.constant 0 : i32
        %dma_wait3A_122 = tpu.memref_slice %arg9[%dma_wait3A_120, %dma_wait3A_121] : memref<50x100xi32, #tpu.memory_space<vmem>> -> memref<1x100xi32, #tpu.memory_space<vmem>>
        %dma_wait3A_123 = tpu.memref_squeeze %dma_wait3A_122 : memref<1x100xi32, #tpu.memory_space<vmem>> -> memref<100xi32, #tpu.memory_space<vmem>>
        %dma_wait3A_124 = arith.constant 0 : i32
        %dma_wait3A_125 = arith.constant 0 : i32
        %dma_wait3A_126 = tpu.memref_slice %arg7[%dma_wait3A_124, %dma_wait3A_125] : memref<10240x128xf32, #tpu.memory_space<vmem_shared>> -> memref<10240x128xf32, #tpu.memory_space<vmem_shared>>
        tpu.wait_indirect_dma semaphore(%arg15 : memref<!tpu.dma_semaphore, #tpu.memory_space<semaphore_mem>>) src(%arg11 : memref<100x128xf32, #tpu.memory_space<vmem>>) dst(%dma_wait3A_126 : memref<10240x128xf32, #tpu.memory_space<vmem_shared>>)
        %add3A_127 = arith.constant 3 : i32
        %add3A_128 = arith.addi %mul3A_76, %add3A_127 : i32
        %dma_start3A_129 = arith.constant 0 : i32
        %dma_start3A_130 = tpu.memref_slice %arg8[%add3A_128, %dma_start3A_129] : memref<50x100xi32, #tpu.memory_space<vmem>> -> memref<1x100xi32, #tpu.memory_space<vmem>>
        %dma_start3A_131 = tpu.memref_squeeze %dma_start3A_130 : memref<1x100xi32, #tpu.memory_space<vmem>> -> memref<100xi32, #tpu.memory_space<vmem>>
        %dma_start3A_132 = arith.constant 0 : i32
        %dma_start3A_133 = arith.constant 0 : i32
        %dma_start3A_134 = tpu.memref_slice %arg5[%dma_start3A_132, %dma_start3A_133] : memref<10000x128xf32, #tpu.memory_space<hbm>> -> memref<10000x128xf32, #tpu.memory_space<hbm>>
        tpu.enqueue_indirect_dma source(%dma_start3A_134 : memref<10000x128xf32, #tpu.memory_space<hbm>>) target(%arg11 : memref<100x128xf32, #tpu.memory_space<vmem>>) offsets(%dma_start3A_131 : memref<100xi32, #tpu.memory_space<vmem>>) semaphore(%arg13 : memref<!tpu.dma_semaphore, #tpu.memory_space<semaphore_mem>>)
      }
      %scan3A_32 = arith.constant 24 : i32
      %dma_wait3A = arith.constant 0 : i32
      %dma_wait3A_33 = arith.constant 0 : i32
      %dma_wait3A_34 = tpu.memref_slice %arg8[%dma_wait3A, %dma_wait3A_33] : memref<50x100xi32, #tpu.memory_space<vmem>> -> memref<1x100xi32, #tpu.memory_space<vmem>>
      %dma_wait3A_35 = tpu.memref_squeeze %dma_wait3A_34 : memref<1x100xi32, #tpu.memory_space<vmem>> -> memref<100xi32, #tpu.memory_space<vmem>>
      %dma_wait3A_36 = arith.constant 0 : i32
      %dma_wait3A_37 = arith.constant 0 : i32
      %dma_wait3A_38 = tpu.memref_slice %arg5[%dma_wait3A_36, %dma_wait3A_37] : memref<10000x128xf32, #tpu.memory_space<hbm>> -> memref<10000x128xf32, #tpu.memory_space<hbm>>
      tpu.wait_indirect_dma semaphore(%arg12 : memref<!tpu.dma_semaphore, #tpu.memory_space<semaphore_mem>>) src(%dma_wait3A_38 : memref<10000x128xf32, #tpu.memory_space<hbm>>) dst(%arg10 : memref<100x128xf32, #tpu.memory_space<vmem>>)
      %dma_start3A_39 = arith.constant 48 : i32
      %dma_start3A_40 = arith.constant 0 : i32
      %dma_start3A_41 = tpu.memref_slice %arg9[%dma_start3A_39, %dma_start3A_40] : memref<50x100xi32, #tpu.memory_space<vmem>> -> memref<1x100xi32, #tpu.memory_space<vmem>>
      %dma_start3A_42 = tpu.memref_squeeze %dma_start3A_41 : memref<1x100xi32, #tpu.memory_space<vmem>> -> memref<100xi32, #tpu.memory_space<vmem>>
      %dma_start3A_43 = arith.constant 0 : i32
      %dma_start3A_44 = arith.constant 0 : i32
      %dma_start3A_45 = tpu.memref_slice %arg7[%dma_start3A_43, %dma_start3A_44] : memref<10240x128xf32, #tpu.memory_space<vmem_shared>> -> memref<10240x128xf32, #tpu.memory_space<vmem_shared>>
      tpu.enqueue_indirect_dma source(%arg10 : memref<100x128xf32, #tpu.memory_space<vmem>>) target(%dma_start3A_45 : memref<10240x128xf32, #tpu.memory_space<vmem_shared>>) offsets(%dma_start3A_42 : memref<100xi32, #tpu.memory_space<vmem>>) semaphore(%arg14 : memref<!tpu.dma_semaphore, #tpu.memory_space<semaphore_mem>>) {add = true}
      %dma_wait3A_46 = arith.constant 0 : i32
      %dma_wait3A_47 = arith.constant 0 : i32
      %dma_wait3A_48 = tpu.memref_slice %arg8[%dma_wait3A_46, %dma_wait3A_47] : memref<50x100xi32, #tpu.memory_space<vmem>> -> memref<1x100xi32, #tpu.memory_space<vmem>>
      %dma_wait3A_49 = tpu.memref_squeeze %dma_wait3A_48 : memref<1x100xi32, #tpu.memory_space<vmem>> -> memref<100xi32, #tpu.memory_space<vmem>>
      %dma_wait3A_50 = arith.constant 0 : i32
      %dma_wait3A_51 = arith.constant 0 : i32
      %dma_wait3A_52 = tpu.memref_slice %arg5[%dma_wait3A_50, %dma_wait3A_51] : memref<10000x128xf32, #tpu.memory_space<hbm>> -> memref<10000x128xf32, #tpu.memory_space<hbm>>
      tpu.wait_indirect_dma semaphore(%arg13 : memref<!tpu.dma_semaphore, #tpu.memory_space<semaphore_mem>>) src(%dma_wait3A_52 : memref<10000x128xf32, #tpu.memory_space<hbm>>) dst(%arg11 : memref<100x128xf32, #tpu.memory_space<vmem>>)
      %dma_start3A_53 = arith.constant 49 : i32
      %dma_start3A_54 = arith.constant 0 : i32
      %dma_start3A_55 = tpu.memref_slice %arg9[%dma_start3A_53, %dma_start3A_54] : memref<50x100xi32, #tpu.memory_space<vmem>> -> memref<1x100xi32, #tpu.memory_space<vmem>>
      %dma_start3A_56 = tpu.memref_squeeze %dma_start3A_55 : memref<1x100xi32, #tpu.memory_space<vmem>> -> memref<100xi32, #tpu.memory_space<vmem>>
      %dma_start3A_57 = arith.constant 0 : i32
      %dma_start3A_58 = arith.constant 0 : i32
      %dma_start3A_59 = tpu.memref_slice %arg7[%dma_start3A_57, %dma_start3A_58] : memref<10240x128xf32, #tpu.memory_space<vmem_shared>> -> memref<10240x128xf32, #tpu.memory_space<vmem_shared>>
      tpu.enqueue_indirect_dma source(%arg11 : memref<100x128xf32, #tpu.memory_space<vmem>>) target(%dma_start3A_59 : memref<10240x128xf32, #tpu.memory_space<vmem_shared>>) offsets(%dma_start3A_56 : memref<100xi32, #tpu.memory_space<vmem>>) semaphore(%arg15 : memref<!tpu.dma_semaphore, #tpu.memory_space<semaphore_mem>>) {add = true}
      %dma_wait3A_60 = arith.constant 0 : i32
      %dma_wait3A_61 = arith.constant 0 : i32
      %dma_wait3A_62 = tpu.memref_slice %arg9[%dma_wait3A_60, %dma_wait3A_61] : memref<50x100xi32, #tpu.memory_space<vmem>> -> memref<1x100xi32, #tpu.memory_space<vmem>>
      %dma_wait3A_63 = tpu.memref_squeeze %dma_wait3A_62 : memref<1x100xi32, #tpu.memory_space<vmem>> -> memref<100xi32, #tpu.memory_space<vmem>>
      %dma_wait3A_64 = arith.constant 0 : i32
      %dma_wait3A_65 = arith.constant 0 : i32
      %dma_wait3A_66 = tpu.memref_slice %arg7[%dma_wait3A_64, %dma_wait3A_65] : memref<10240x128xf32, #tpu.memory_space<vmem_shared>> -> memref<10240x128xf32, #tpu.memory_space<vmem_shared>>
      tpu.wait_indirect_dma semaphore(%arg14 : memref<!tpu.dma_semaphore, #tpu.memory_space<semaphore_mem>>) src(%arg10 : memref<100x128xf32, #tpu.memory_space<vmem>>) dst(%dma_wait3A_66 : memref<10240x128xf32, #tpu.memory_space<vmem_shared>>)
      %dma_wait3A_67 = arith.constant 0 : i32
      %dma_wait3A_68 = arith.constant 0 : i32
      %dma_wait3A_69 = tpu.memref_slice %arg9[%dma_wait3A_67, %dma_wait3A_68] : memref<50x100xi32, #tpu.memory_space<vmem>> -> memref<1x100xi32, #tpu.memory_space<vmem>>
      %dma_wait3A_70 = tpu.memref_squeeze %dma_wait3A_69 : memref<1x100xi32, #tpu.memory_space<vmem>> -> memref<100xi32, #tpu.memory_space<vmem>>
      %dma_wait3A_71 = arith.constant 0 : i32
      %dma_wait3A_72 = arith.constant 0 : i32
      %dma_wait3A_73 = tpu.memref_slice %arg7[%dma_wait3A_71, %dma_wait3A_72] : memref<10240x128xf32, #tpu.memory_space<vmem_shared>> -> memref<10240x128xf32, #tpu.memory_space<vmem_shared>>
      tpu.wait_indirect_dma semaphore(%arg15 : memref<!tpu.dma_semaphore, #tpu.memory_space<semaphore_mem>>) src(%arg11 : memref<100x128xf32, #tpu.memory_space<vmem>>) dst(%dma_wait3A_73 : memref<10240x128xf32, #tpu.memory_space<vmem_shared>>)
    }
    %scan3A_7 = arith.constant 2 : i32
    %barrier3A_8 = arith.constant 0 : index
    tpu.barrier barrier_id(%barrier3A_8)
    %mul3A_9 = arith.constant 640 : i32
    %mul3A_10 = arith.muli %arg1, %mul3A_9 : i32
    %mul3A_11 = arith.constant 640 : i32
    %mul3A_12 = arith.muli %arg1, %mul3A_11 : i32
    "tpu.region"() ({
      %run_scoped3A = tpu.sem_alloc : memref<!tpu.dma_semaphore, #tpu.memory_space<semaphore_mem>>
      %dma_start3A = arith.constant 0 : i32
      %dma_start3A_13 = tpu.memref_slice %arg6[%arg0, %mul3A_12, %dma_start3A] : memref<2x10240x128xf32, #tpu.memory_space<hbm>> -> memref<1x640x128xf32, #tpu.memory_space<hbm>>
      %dma_start3A_14 = tpu.memref_squeeze %dma_start3A_13 : memref<1x640x128xf32, #tpu.memory_space<hbm>> -> memref<640x128xf32, #tpu.memory_space<hbm>>
      %dma_start3A_15 = arith.constant 0 : i32
      %dma_start3A_16 = tpu.memref_slice %arg7[%mul3A_10, %dma_start3A_15] : memref<10240x128xf32, #tpu.memory_space<vmem_shared>> -> memref<640x128xf32, #tpu.memory_space<vmem_shared>>
      tpu.enqueue_dma source(%dma_start3A_16 : memref<640x128xf32, #tpu.memory_space<vmem_shared>>) target(%dma_start3A_14 : memref<640x128xf32, #tpu.memory_space<hbm>>) target_semaphore(%run_scoped3A : memref<!tpu.dma_semaphore, #tpu.memory_space<semaphore_mem>>)
      %dma_wait3A = arith.constant 0 : i32
      %dma_wait3A_17 = tpu.memref_slice %arg6[%arg0, %mul3A_12, %dma_wait3A] : memref<2x10240x128xf32, #tpu.memory_space<hbm>> -> memref<1x640x128xf32, #tpu.memory_space<hbm>>
      %dma_wait3A_18 = tpu.memref_squeeze %dma_wait3A_17 : memref<1x640x128xf32, #tpu.memory_space<hbm>> -> memref<640x128xf32, #tpu.memory_space<hbm>>
      %dma_wait3A_19 = arith.constant 0 : i32
      %dma_wait3A_20 = tpu.memref_slice %arg7[%mul3A_10, %dma_wait3A_19] : memref<10240x128xf32, #tpu.memory_space<vmem_shared>> -> memref<640x128xf32, #tpu.memory_space<vmem_shared>>
      tpu.wait_dma2 semaphore(%run_scoped3A : memref<!tpu.dma_semaphore, #tpu.memory_space<semaphore_mem>>) src(%dma_wait3A_20 : memref<640x128xf32, #tpu.memory_space<vmem_shared>>) dst(%dma_wait3A_18 : memref<640x128xf32, #tpu.memory_space<hbm>>)
      tpu.yield
    }) : () -> ()
    return
  }
}

#map = affine_map<(d0, d1) -> (0, 0, 0, 0)>
#map1 = affine_map<(d0, d1) -> (0, 0)>
#map2 = affine_map<(d0, d1) -> (0, 0, 0)>
module attributes {stable_mosaic.version = 14 : i64} {
  func.func @_edge_kernel(%arg0: i32, %arg1: i32, %arg2: memref<32x2x50x100xi32, #tpu.memory_space<hbm>>, %arg3: memref<32x2x50x100xi32, #tpu.memory_space<hbm>>, %arg4: memref<640x128xf32, #tpu.memory_space<hbm>>, %arg5: memref<10000x128xf32, #tpu.memory_space<hbm>>, %arg6: memref<2x10240x128xf32, #tpu.memory_space<hbm>>, %arg7: memref<10240x128xf32, #tpu.memory_space<vmem_shared>>, %arg8: memref<50x100xi32, #tpu.memory_space<vmem>>, %arg9: memref<50x100xi32, #tpu.memory_space<vmem>>, %arg10: memref<100x128xf32, #tpu.memory_space<vmem>>, %arg11: memref<100x128xf32, #tpu.memory_space<vmem>>, %arg12: memref<!tpu.dma_semaphore, #tpu.memory_space<semaphore_mem>>, %arg13: memref<!tpu.dma_semaphore, #tpu.memory_space<semaphore_mem>>, %arg14: memref<!tpu.dma_semaphore, #tpu.memory_space<semaphore_mem>>, %arg15: memref<!tpu.dma_semaphore, #tpu.memory_space<semaphore_mem>>) attributes {dimension_semantics = [#tpu.dimension_semantics<core_parallel>, #tpu.dimension_semantics<subcore_parallel>], iteration_bounds = array<i64: 2, 16>, scalar_prefetch = 0 : i64, scratch_operands = 9 : i64, tpu.core_type = #tpu.core_type<sc_vector_subcore>, window_params = [{transform_indices = #map}, {transform_indices = #map}, {transform_indices = #map1}, {transform_indices = #map1}, {transform_indices = #map2}]} {
    %mul3A = arith.constant 2 : i32
    %mul3A_0 = arith.muli %arg1, %mul3A : i32
    %add3A = arith.addi %mul3A_0, %arg0 : i32
    %mul3A_1 = arith.constant 640 : i32
    %mul3A_2 = arith.muli %arg1, %mul3A_1 : i32
    "tpu.region"() ({
      %run_scoped3A = tpu.sem_alloc : memref<!tpu.dma_semaphore, #tpu.memory_space<semaphore_mem>>
      %dma_start3A = arith.constant 0 : i32
      %dma_start3A_13 = tpu.memref_slice %arg7[%mul3A_2, %dma_start3A] : memref<10240x128xf32, #tpu.memory_space<vmem_shared>> -> memref<640x128xf32, #tpu.memory_space<vmem_shared>>
      tpu.enqueue_dma source(%arg4 : memref<640x128xf32, #tpu.memory_space<hbm>>) target(%dma_start3A_13 : memref<640x128xf32, #tpu.memory_space<vmem_shared>>) target_semaphore(%run_scoped3A : memref<!tpu.dma_semaphore, #tpu.memory_space<semaphore_mem>>)
      %dma_wait3A = arith.constant 0 : i32
      %dma_wait3A_14 = tpu.memref_slice %arg7[%mul3A_2, %dma_wait3A] : memref<10240x128xf32, #tpu.memory_space<vmem_shared>> -> memref<640x128xf32, #tpu.memory_space<vmem_shared>>
      tpu.wait_dma2 semaphore(%run_scoped3A : memref<!tpu.dma_semaphore, #tpu.memory_space<semaphore_mem>>) src(%arg4 : memref<640x128xf32, #tpu.memory_space<hbm>>) dst(%dma_wait3A_14 : memref<640x128xf32, #tpu.memory_space<vmem_shared>>)
      tpu.yield
    }) : () -> ()
    %barrier3A = arith.constant 0 : index
    tpu.barrier barrier_id(%barrier3A)
    %scan3A = arith.constant 0 : i32
    %scan3A_3 = arith.constant 0 : i32
    %scan3A_4 = arith.constant 2 : i32
    %scan3A_5 = arith.addi %scan3A_3, %scan3A_4 : i32
    %scan3A_6 = arith.constant 1 : i32
    scf.for %scan3A_13 = %scan3A_3 to %scan3A_5 step %scan3A_6  : i32 {
      "tpu.region"() ({
        %run_scoped3A = tpu.sem_alloc : memref<!tpu.dma_semaphore, #tpu.memory_space<semaphore_mem>>
        %dma_start3A_74 = arith.constant 0 : i32
        %dma_start3A_75 = arith.constant 0 : i32
        %dma_start3A_76 = tpu.memref_slice %arg2[%add3A, %scan3A_13, %dma_start3A_74, %dma_start3A_75] : memref<32x2x50x100xi32, #tpu.memory_space<hbm>> -> memref<1x1x50x100xi32, #tpu.memory_space<hbm>>
        %dma_start3A_77 = tpu.memref_squeeze %dma_start3A_76 : memref<1x1x50x100xi32, #tpu.memory_space<hbm>> -> memref<50x100xi32, #tpu.memory_space<hbm>>
        %dma_start3A_78 = arith.constant 0 : i32
        %dma_start3A_79 = arith.constant 0 : i32
        %dma_start3A_80 = tpu.memref_slice %arg2[%add3A, %scan3A_13, %dma_start3A_78, %dma_start3A_79] : memref<32x2x50x100xi32, #tpu.memory_space<hbm>> -> memref<1x1x50x100xi32, #tpu.memory_space<hbm>>
        %dma_start3A_81 = tpu.memref_squeeze %dma_start3A_80 : memref<1x1x50x100xi32, #tpu.memory_space<hbm>> -> memref<50x100xi32, #tpu.memory_space<hbm>>
        tpu.enqueue_dma source(%dma_start3A_81 : memref<50x100xi32, #tpu.memory_space<hbm>>) target(%arg8 : memref<50x100xi32, #tpu.memory_space<vmem>>) target_semaphore(%run_scoped3A : memref<!tpu.dma_semaphore, #tpu.memory_space<semaphore_mem>>)
        %dma_wait3A_82 = arith.constant 0 : i32
        %dma_wait3A_83 = arith.constant 0 : i32
        %dma_wait3A_84 = tpu.memref_slice %arg2[%add3A, %scan3A_13, %dma_wait3A_82, %dma_wait3A_83] : memref<32x2x50x100xi32, #tpu.memory_space<hbm>> -> memref<1x1x50x100xi32, #tpu.memory_space<hbm>>
        %dma_wait3A_85 = tpu.memref_squeeze %dma_wait3A_84 : memref<1x1x50x100xi32, #tpu.memory_space<hbm>> -> memref<50x100xi32, #tpu.memory_space<hbm>>
        %dma_wait3A_86 = arith.constant 0 : i32
        %dma_wait3A_87 = arith.constant 0 : i32
        %dma_wait3A_88 = tpu.memref_slice %arg2[%add3A, %scan3A_13, %dma_wait3A_86, %dma_wait3A_87] : memref<32x2x50x100xi32, #tpu.memory_space<hbm>> -> memref<1x1x50x100xi32, #tpu.memory_space<hbm>>
        %dma_wait3A_89 = tpu.memref_squeeze %dma_wait3A_88 : memref<1x1x50x100xi32, #tpu.memory_space<hbm>> -> memref<50x100xi32, #tpu.memory_space<hbm>>
        tpu.wait_dma2 semaphore(%run_scoped3A : memref<!tpu.dma_semaphore, #tpu.memory_space<semaphore_mem>>) src(%dma_wait3A_89 : memref<50x100xi32, #tpu.memory_space<hbm>>) dst(%arg8 : memref<50x100xi32, #tpu.memory_space<vmem>>)
        tpu.yield
      }) : () -> ()
      "tpu.region"() ({
        %run_scoped3A = tpu.sem_alloc : memref<!tpu.dma_semaphore, #tpu.memory_space<semaphore_mem>>
        %dma_start3A_74 = arith.constant 0 : i32
        %dma_start3A_75 = arith.constant 0 : i32
        %dma_start3A_76 = tpu.memref_slice %arg3[%add3A, %scan3A_13, %dma_start3A_74, %dma_start3A_75] : memref<32x2x50x100xi32, #tpu.memory_space<hbm>> -> memref<1x1x50x100xi32, #tpu.memory_space<hbm>>
        %dma_start3A_77 = tpu.memref_squeeze %dma_start3A_76 : memref<1x1x50x100xi32, #tpu.memory_space<hbm>> -> memref<50x100xi32, #tpu.memory_space<hbm>>
        %dma_start3A_78 = arith.constant 0 : i32
        %dma_start3A_79 = arith.constant 0 : i32
        %dma_start3A_80 = tpu.memref_slice %arg3[%add3A, %scan3A_13, %dma_start3A_78, %dma_start3A_79] : memref<32x2x50x100xi32, #tpu.memory_space<hbm>> -> memref<1x1x50x100xi32, #tpu.memory_space<hbm>>
        %dma_start3A_81 = tpu.memref_squeeze %dma_start3A_80 : memref<1x1x50x100xi32, #tpu.memory_space<hbm>> -> memref<50x100xi32, #tpu.memory_space<hbm>>
        tpu.enqueue_dma source(%dma_start3A_81 : memref<50x100xi32, #tpu.memory_space<hbm>>) target(%arg9 : memref<50x100xi32, #tpu.memory_space<vmem>>) target_semaphore(%run_scoped3A : memref<!tpu.dma_semaphore, #tpu.memory_space<semaphore_mem>>)
        %dma_wait3A_82 = arith.constant 0 : i32
        %dma_wait3A_83 = arith.constant 0 : i32
        %dma_wait3A_84 = tpu.memref_slice %arg3[%add3A, %scan3A_13, %dma_wait3A_82, %dma_wait3A_83] : memref<32x2x50x100xi32, #tpu.memory_space<hbm>> -> memref<1x1x50x100xi32, #tpu.memory_space<hbm>>
        %dma_wait3A_85 = tpu.memref_squeeze %dma_wait3A_84 : memref<1x1x50x100xi32, #tpu.memory_space<hbm>> -> memref<50x100xi32, #tpu.memory_space<hbm>>
        %dma_wait3A_86 = arith.constant 0 : i32
        %dma_wait3A_87 = arith.constant 0 : i32
        %dma_wait3A_88 = tpu.memref_slice %arg3[%add3A, %scan3A_13, %dma_wait3A_86, %dma_wait3A_87] : memref<32x2x50x100xi32, #tpu.memory_space<hbm>> -> memref<1x1x50x100xi32, #tpu.memory_space<hbm>>
        %dma_wait3A_89 = tpu.memref_squeeze %dma_wait3A_88 : memref<1x1x50x100xi32, #tpu.memory_space<hbm>> -> memref<50x100xi32, #tpu.memory_space<hbm>>
        tpu.wait_dma2 semaphore(%run_scoped3A : memref<!tpu.dma_semaphore, #tpu.memory_space<semaphore_mem>>) src(%dma_wait3A_89 : memref<50x100xi32, #tpu.memory_space<hbm>>) dst(%arg9 : memref<50x100xi32, #tpu.memory_space<vmem>>)
        tpu.yield
      }) : () -> ()
      %dma_start3A = arith.constant 0 : i32
      %dma_start3A_14 = arith.constant 0 : i32
      %dma_start3A_15 = tpu.memref_slice %arg8[%dma_start3A, %dma_start3A_14] : memref<50x100xi32, #tpu.memory_space<vmem>> -> memref<1x100xi32, #tpu.memory_space<vmem>>
      %dma_start3A_16 = tpu.memref_squeeze %dma_start3A_15 : memref<1x100xi32, #tpu.memory_space<vmem>> -> memref<100xi32, #tpu.memory_space<vmem>>
      %dma_start3A_17 = arith.constant 0 : i32
      %dma_start3A_18 = arith.constant 0 : i32
      %dma_start3A_19 = tpu.memref_slice %arg5[%dma_start3A_17, %dma_start3A_18] : memref<10000x128xf32, #tpu.memory_space<hbm>> -> memref<10000x128xf32, #tpu.memory_space<hbm>>
      tpu.enqueue_indirect_dma source(%dma_start3A_19 : memref<10000x128xf32, #tpu.memory_space<hbm>>) target(%arg10 : memref<100x128xf32, #tpu.memory_space<vmem>>) offsets(%dma_start3A_16 : memref<100xi32, #tpu.memory_space<vmem>>) semaphore(%arg12 : memref<!tpu.dma_semaphore, #tpu.memory_space<semaphore_mem>>)
      %dma_start3A_20 = arith.constant 1 : i32
      %dma_start3A_21 = arith.constant 0 : i32
      %dma_start3A_22 = tpu.memref_slice %arg8[%dma_start3A_20, %dma_start3A_21] : memref<50x100xi32, #tpu.memory_space<vmem>> -> memref<1x100xi32, #tpu.memory_space<vmem>>
      %dma_start3A_23 = tpu.memref_squeeze %dma_start3A_22 : memref<1x100xi32, #tpu.memory_space<vmem>> -> memref<100xi32, #tpu.memory_space<vmem>>
      %dma_start3A_24 = arith.constant 0 : i32
      %dma_start3A_25 = arith.constant 0 : i32
      %dma_start3A_26 = tpu.memref_slice %arg5[%dma_start3A_24, %dma_start3A_25] : memref<10000x128xf32, #tpu.memory_space<hbm>> -> memref<10000x128xf32, #tpu.memory_space<hbm>>
      tpu.enqueue_indirect_dma source(%dma_start3A_26 : memref<10000x128xf32, #tpu.memory_space<hbm>>) target(%arg11 : memref<100x128xf32, #tpu.memory_space<vmem>>) offsets(%dma_start3A_23 : memref<100xi32, #tpu.memory_space<vmem>>) semaphore(%arg13 : memref<!tpu.dma_semaphore, #tpu.memory_space<semaphore_mem>>)
      %scan3A_27 = arith.constant 0 : i32
      %scan3A_28 = arith.constant 0 : i32
      %scan3A_29 = arith.constant 24 : i32
      %scan3A_30 = arith.addi %scan3A_28, %scan3A_29 : i32
      %scan3A_31 = arith.constant 1 : i32
      scf.for %scan3A_74 = %scan3A_28 to %scan3A_30 step %scan3A_31  : i32 {
        %mul3A_75 = arith.constant 2 : i32
        %mul3A_76 = arith.muli %mul3A_75, %scan3A_74 : i32
        %dma_wait3A_77 = arith.constant 0 : i32
        %dma_wait3A_78 = arith.constant 0 : i32
        %dma_wait3A_79 = tpu.memref_slice %arg8[%dma_wait3A_77, %dma_wait3A_78] : memref<50x100xi32, #tpu.memory_space<vmem>> -> memref<1x100xi32, #tpu.memory_space<vmem>>
        %dma_wait3A_80 = tpu.memref_squeeze %dma_wait3A_79 : memref<1x100xi32, #tpu.memory_space<vmem>> -> memref<100xi32, #tpu.memory_space<vmem>>
        %dma_wait3A_81 = arith.constant 0 : i32
        %dma_wait3A_82 = arith.constant 0 : i32
        %dma_wait3A_83 = tpu.memref_slice %arg5[%dma_wait3A_81, %dma_wait3A_82] : memref<10000x128xf32, #tpu.memory_space<hbm>> -> memref<10000x128xf32, #tpu.memory_space<hbm>>
        tpu.wait_indirect_dma semaphore(%arg12 : memref<!tpu.dma_semaphore, #tpu.memory_space<semaphore_mem>>) src(%dma_wait3A_83 : memref<10000x128xf32, #tpu.memory_space<hbm>>) dst(%arg10 : memref<100x128xf32, #tpu.memory_space<vmem>>)
        %dma_start3A_84 = arith.constant 0 : i32
        %dma_start3A_85 = tpu.memref_slice %arg9[%mul3A_76, %dma_start3A_84] : memref<50x100xi32, #tpu.memory_space<vmem>> -> memref<1x100xi32, #tpu.memory_space<vmem>>
        %dma_start3A_86 = tpu.memref_squeeze %dma_start3A_85 : memref<1x100xi32, #tpu.memory_space<vmem>> -> memref<100xi32, #tpu.memory_space<vmem>>
        %dma_start3A_87 = arith.constant 0 : i32
        %dma_start3A_88 = arith.constant 0 : i32
        %dma_start3A_89 = tpu.memref_slice %arg7[%dma_start3A_87, %dma_start3A_88] : memref<10240x128xf32, #tpu.memory_space<vmem_shared>> -> memref<10240x128xf32, #tpu.memory_space<vmem_shared>>
        tpu.enqueue_indirect_dma source(%arg10 : memref<100x128xf32, #tpu.memory_space<vmem>>) target(%dma_start3A_89 : memref<10240x128xf32, #tpu.memory_space<vmem_shared>>) offsets(%dma_start3A_86 : memref<100xi32, #tpu.memory_space<vmem>>) semaphore(%arg14 : memref<!tpu.dma_semaphore, #tpu.memory_space<semaphore_mem>>) {add = true}
        %dma_wait3A_90 = arith.constant 0 : i32
        %dma_wait3A_91 = arith.constant 0 : i32
        %dma_wait3A_92 = tpu.memref_slice %arg8[%dma_wait3A_90, %dma_wait3A_91] : memref<50x100xi32, #tpu.memory_space<vmem>> -> memref<1x100xi32, #tpu.memory_space<vmem>>
        %dma_wait3A_93 = tpu.memref_squeeze %dma_wait3A_92 : memref<1x100xi32, #tpu.memory_space<vmem>> -> memref<100xi32, #tpu.memory_space<vmem>>
        %dma_wait3A_94 = arith.constant 0 : i32
        %dma_wait3A_95 = arith.constant 0 : i32
        %dma_wait3A_96 = tpu.memref_slice %arg5[%dma_wait3A_94, %dma_wait3A_95] : memref<10000x128xf32, #tpu.memory_space<hbm>> -> memref<10000x128xf32, #tpu.memory_space<hbm>>
        tpu.wait_indirect_dma semaphore(%arg13 : memref<!tpu.dma_semaphore, #tpu.memory_space<semaphore_mem>>) src(%dma_wait3A_96 : memref<10000x128xf32, #tpu.memory_space<hbm>>) dst(%arg11 : memref<100x128xf32, #tpu.memory_space<vmem>>)
        %add3A_97 = arith.constant 1 : i32
        %add3A_98 = arith.addi %mul3A_76, %add3A_97 : i32
        %dma_start3A_99 = arith.constant 0 : i32
        %dma_start3A_100 = tpu.memref_slice %arg9[%add3A_98, %dma_start3A_99] : memref<50x100xi32, #tpu.memory_space<vmem>> -> memref<1x100xi32, #tpu.memory_space<vmem>>
        %dma_start3A_101 = tpu.memref_squeeze %dma_start3A_100 : memref<1x100xi32, #tpu.memory_space<vmem>> -> memref<100xi32, #tpu.memory_space<vmem>>
        %dma_start3A_102 = arith.constant 0 : i32
        %dma_start3A_103 = arith.constant 0 : i32
        %dma_start3A_104 = tpu.memref_slice %arg7[%dma_start3A_102, %dma_start3A_103] : memref<10240x128xf32, #tpu.memory_space<vmem_shared>> -> memref<10240x128xf32, #tpu.memory_space<vmem_shared>>
        tpu.enqueue_indirect_dma source(%arg11 : memref<100x128xf32, #tpu.memory_space<vmem>>) target(%dma_start3A_104 : memref<10240x128xf32, #tpu.memory_space<vmem_shared>>) offsets(%dma_start3A_101 : memref<100xi32, #tpu.memory_space<vmem>>) semaphore(%arg15 : memref<!tpu.dma_semaphore, #tpu.memory_space<semaphore_mem>>) {add = true}
        %dma_wait3A_105 = arith.constant 0 : i32
        %dma_wait3A_106 = arith.constant 0 : i32
        %dma_wait3A_107 = tpu.memref_slice %arg9[%dma_wait3A_105, %dma_wait3A_106] : memref<50x100xi32, #tpu.memory_space<vmem>> -> memref<1x100xi32, #tpu.memory_space<vmem>>
        %dma_wait3A_108 = tpu.memref_squeeze %dma_wait3A_107 : memref<1x100xi32, #tpu.memory_space<vmem>> -> memref<100xi32, #tpu.memory_space<vmem>>
        %dma_wait3A_109 = arith.constant 0 : i32
        %dma_wait3A_110 = arith.constant 0 : i32
        %dma_wait3A_111 = tpu.memref_slice %arg7[%dma_wait3A_109, %dma_wait3A_110] : memref<10240x128xf32, #tpu.memory_space<vmem_shared>> -> memref<10240x128xf32, #tpu.memory_space<vmem_shared>>
        tpu.wait_indirect_dma semaphore(%arg14 : memref<!tpu.dma_semaphore, #tpu.memory_space<semaphore_mem>>) src(%arg10 : memref<100x128xf32, #tpu.memory_space<vmem>>) dst(%dma_wait3A_111 : memref<10240x128xf32, #tpu.memory_space<vmem_shared>>)
        %add3A_112 = arith.constant 2 : i32
        %add3A_113 = arith.addi %mul3A_76, %add3A_112 : i32
        %dma_start3A_114 = arith.constant 0 : i32
        %dma_start3A_115 = tpu.memref_slice %arg8[%add3A_113, %dma_start3A_114] : memref<50x100xi32, #tpu.memory_space<vmem>> -> memref<1x100xi32, #tpu.memory_space<vmem>>
        %dma_start3A_116 = tpu.memref_squeeze %dma_start3A_115 : memref<1x100xi32, #tpu.memory_space<vmem>> -> memref<100xi32, #tpu.memory_space<vmem>>
        %dma_start3A_117 = arith.constant 0 : i32
        %dma_start3A_118 = arith.constant 0 : i32
        %dma_start3A_119 = tpu.memref_slice %arg5[%dma_start3A_117, %dma_start3A_118] : memref<10000x128xf32, #tpu.memory_space<hbm>> -> memref<10000x128xf32, #tpu.memory_space<hbm>>
        tpu.enqueue_indirect_dma source(%dma_start3A_119 : memref<10000x128xf32, #tpu.memory_space<hbm>>) target(%arg10 : memref<100x128xf32, #tpu.memory_space<vmem>>) offsets(%dma_start3A_116 : memref<100xi32, #tpu.memory_space<vmem>>) semaphore(%arg12 : memref<!tpu.dma_semaphore, #tpu.memory_space<semaphore_mem>>)
        %dma_wait3A_120 = arith.constant 0 : i32
        %dma_wait3A_121 = arith.constant 0 : i32
        %dma_wait3A_122 = tpu.memref_slice %arg9[%dma_wait3A_120, %dma_wait3A_121] : memref<50x100xi32, #tpu.memory_space<vmem>> -> memref<1x100xi32, #tpu.memory_space<vmem>>
        %dma_wait3A_123 = tpu.memref_squeeze %dma_wait3A_122 : memref<1x100xi32, #tpu.memory_space<vmem>> -> memref<100xi32, #tpu.memory_space<vmem>>
        %dma_wait3A_124 = arith.constant 0 : i32
        %dma_wait3A_125 = arith.constant 0 : i32
        %dma_wait3A_126 = tpu.memref_slice %arg7[%dma_wait3A_124, %dma_wait3A_125] : memref<10240x128xf32, #tpu.memory_space<vmem_shared>> -> memref<10240x128xf32, #tpu.memory_space<vmem_shared>>
        tpu.wait_indirect_dma semaphore(%arg15 : memref<!tpu.dma_semaphore, #tpu.memory_space<semaphore_mem>>) src(%arg11 : memref<100x128xf32, #tpu.memory_space<vmem>>) dst(%dma_wait3A_126 : memref<10240x128xf32, #tpu.memory_space<vmem_shared>>)
        %add3A_127 = arith.constant 3 : i32
        %add3A_128 = arith.addi %mul3A_76, %add3A_127 : i32
        %dma_start3A_129 = arith.constant 0 : i32
        %dma_start3A_130 = tpu.memref_slice %arg8[%add3A_128, %dma_start3A_129] : memref<50x100xi32, #tpu.memory_space<vmem>> -> memref<1x100xi32, #tpu.memory_space<vmem>>
        %dma_start3A_131 = tpu.memref_squeeze %dma_start3A_130 : memref<1x100xi32, #tpu.memory_space<vmem>> -> memref<100xi32, #tpu.memory_space<vmem>>
        %dma_start3A_132 = arith.constant 0 : i32
        %dma_start3A_133 = arith.constant 0 : i32
        %dma_start3A_134 = tpu.memref_slice %arg5[%dma_start3A_132, %dma_start3A_133] : memref<10000x128xf32, #tpu.memory_space<hbm>> -> memref<10000x128xf32, #tpu.memory_space<hbm>>
        tpu.enqueue_indirect_dma source(%dma_start3A_134 : memref<10000x128xf32, #tpu.memory_space<hbm>>) target(%arg11 : memref<100x128xf32, #tpu.memory_space<vmem>>) offsets(%dma_start3A_131 : memref<100xi32, #tpu.memory_space<vmem>>) semaphore(%arg13 : memref<!tpu.dma_semaphore, #tpu.memory_space<semaphore_mem>>)
      }
      %scan3A_32 = arith.constant 24 : i32
      %dma_wait3A = arith.constant 0 : i32
      %dma_wait3A_33 = arith.constant 0 : i32
      %dma_wait3A_34 = tpu.memref_slice %arg8[%dma_wait3A, %dma_wait3A_33] : memref<50x100xi32, #tpu.memory_space<vmem>> -> memref<1x100xi32, #tpu.memory_space<vmem>>
      %dma_wait3A_35 = tpu.memref_squeeze %dma_wait3A_34 : memref<1x100xi32, #tpu.memory_space<vmem>> -> memref<100xi32, #tpu.memory_space<vmem>>
      %dma_wait3A_36 = arith.constant 0 : i32
      %dma_wait3A_37 = arith.constant 0 : i32
      %dma_wait3A_38 = tpu.memref_slice %arg5[%dma_wait3A_36, %dma_wait3A_37] : memref<10000x128xf32, #tpu.memory_space<hbm>> -> memref<10000x128xf32, #tpu.memory_space<hbm>>
      tpu.wait_indirect_dma semaphore(%arg12 : memref<!tpu.dma_semaphore, #tpu.memory_space<semaphore_mem>>) src(%dma_wait3A_38 : memref<10000x128xf32, #tpu.memory_space<hbm>>) dst(%arg10 : memref<100x128xf32, #tpu.memory_space<vmem>>)
      %dma_start3A_39 = arith.constant 48 : i32
      %dma_start3A_40 = arith.constant 0 : i32
      %dma_start3A_41 = tpu.memref_slice %arg9[%dma_start3A_39, %dma_start3A_40] : memref<50x100xi32, #tpu.memory_space<vmem>> -> memref<1x100xi32, #tpu.memory_space<vmem>>
      %dma_start3A_42 = tpu.memref_squeeze %dma_start3A_41 : memref<1x100xi32, #tpu.memory_space<vmem>> -> memref<100xi32, #tpu.memory_space<vmem>>
      %dma_start3A_43 = arith.constant 0 : i32
      %dma_start3A_44 = arith.constant 0 : i32
      %dma_start3A_45 = tpu.memref_slice %arg7[%dma_start3A_43, %dma_start3A_44] : memref<10240x128xf32, #tpu.memory_space<vmem_shared>> -> memref<10240x128xf32, #tpu.memory_space<vmem_shared>>
      tpu.enqueue_indirect_dma source(%arg10 : memref<100x128xf32, #tpu.memory_space<vmem>>) target(%dma_start3A_45 : memref<10240x128xf32, #tpu.memory_space<vmem_shared>>) offsets(%dma_start3A_42 : memref<100xi32, #tpu.memory_space<vmem>>) semaphore(%arg14 : memref<!tpu.dma_semaphore, #tpu.memory_space<semaphore_mem>>) {add = true}
      %dma_wait3A_46 = arith.constant 0 : i32
      %dma_wait3A_47 = arith.constant 0 : i32
      %dma_wait3A_48 = tpu.memref_slice %arg8[%dma_wait3A_46, %dma_wait3A_47] : memref<50x100xi32, #tpu.memory_space<vmem>> -> memref<1x100xi32, #tpu.memory_space<vmem>>
      %dma_wait3A_49 = tpu.memref_squeeze %dma_wait3A_48 : memref<1x100xi32, #tpu.memory_space<vmem>> -> memref<100xi32, #tpu.memory_space<vmem>>
      %dma_wait3A_50 = arith.constant 0 : i32
      %dma_wait3A_51 = arith.constant 0 : i32
      %dma_wait3A_52 = tpu.memref_slice %arg5[%dma_wait3A_50, %dma_wait3A_51] : memref<10000x128xf32, #tpu.memory_space<hbm>> -> memref<10000x128xf32, #tpu.memory_space<hbm>>
      tpu.wait_indirect_dma semaphore(%arg13 : memref<!tpu.dma_semaphore, #tpu.memory_space<semaphore_mem>>) src(%dma_wait3A_52 : memref<10000x128xf32, #tpu.memory_space<hbm>>) dst(%arg11 : memref<100x128xf32, #tpu.memory_space<vmem>>)
      %dma_start3A_53 = arith.constant 49 : i32
      %dma_start3A_54 = arith.constant 0 : i32
      %dma_start3A_55 = tpu.memref_slice %arg9[%dma_start3A_53, %dma_start3A_54] : memref<50x100xi32, #tpu.memory_space<vmem>> -> memref<1x100xi32, #tpu.memory_space<vmem>>
      %dma_start3A_56 = tpu.memref_squeeze %dma_start3A_55 : memref<1x100xi32, #tpu.memory_space<vmem>> -> memref<100xi32, #tpu.memory_space<vmem>>
      %dma_start3A_57 = arith.constant 0 : i32
      %dma_start3A_58 = arith.constant 0 : i32
      %dma_start3A_59 = tpu.memref_slice %arg7[%dma_start3A_57, %dma_start3A_58] : memref<10240x128xf32, #tpu.memory_space<vmem_shared>> -> memref<10240x128xf32, #tpu.memory_space<vmem_shared>>
      tpu.enqueue_indirect_dma source(%arg11 : memref<100x128xf32, #tpu.memory_space<vmem>>) target(%dma_start3A_59 : memref<10240x128xf32, #tpu.memory_space<vmem_shared>>) offsets(%dma_start3A_56 : memref<100xi32, #tpu.memory_space<vmem>>) semaphore(%arg15 : memref<!tpu.dma_semaphore, #tpu.memory_space<semaphore_mem>>) {add = true}
      %dma_wait3A_60 = arith.constant 0 : i32
      %dma_wait3A_61 = arith.constant 0 : i32
      %dma_wait3A_62 = tpu.memref_slice %arg9[%dma_wait3A_60, %dma_wait3A_61] : memref<50x100xi32, #tpu.memory_space<vmem>> -> memref<1x100xi32, #tpu.memory_space<vmem>>
      %dma_wait3A_63 = tpu.memref_squeeze %dma_wait3A_62 : memref<1x100xi32, #tpu.memory_space<vmem>> -> memref<100xi32, #tpu.memory_space<vmem>>
      %dma_wait3A_64 = arith.constant 0 : i32
      %dma_wait3A_65 = arith.constant 0 : i32
      %dma_wait3A_66 = tpu.memref_slice %arg7[%dma_wait3A_64, %dma_wait3A_65] : memref<10240x128xf32, #tpu.memory_space<vmem_shared>> -> memref<10240x128xf32, #tpu.memory_space<vmem_shared>>
      tpu.wait_indirect_dma semaphore(%arg14 : memref<!tpu.dma_semaphore, #tpu.memory_space<semaphore_mem>>) src(%arg10 : memref<100x128xf32, #tpu.memory_space<vmem>>) dst(%dma_wait3A_66 : memref<10240x128xf32, #tpu.memory_space<vmem_shared>>)
      %dma_wait3A_67 = arith.constant 0 : i32
      %dma_wait3A_68 = arith.constant 0 : i32
      %dma_wait3A_69 = tpu.memref_slice %arg9[%dma_wait3A_67, %dma_wait3A_68] : memref<50x100xi32, #tpu.memory_space<vmem>> -> memref<1x100xi32, #tpu.memory_space<vmem>>
      %dma_wait3A_70 = tpu.memref_squeeze %dma_wait3A_69 : memref<1x100xi32, #tpu.memory_space<vmem>> -> memref<100xi32, #tpu.memory_space<vmem>>
      %dma_wait3A_71 = arith.constant 0 : i32
      %dma_wait3A_72 = arith.constant 0 : i32
      %dma_wait3A_73 = tpu.memref_slice %arg7[%dma_wait3A_71, %dma_wait3A_72] : memref<10240x128xf32, #tpu.memory_space<vmem_shared>> -> memref<10240x128xf32, #tpu.memory_space<vmem_shared>>
      tpu.wait_indirect_dma semaphore(%arg15 : memref<!tpu.dma_semaphore, #tpu.memory_space<semaphore_mem>>) src(%arg11 : memref<100x128xf32, #tpu.memory_space<vmem>>) dst(%dma_wait3A_73 : memref<10240x128xf32, #tpu.memory_space<vmem_shared>>)
    }
    %scan3A_7 = arith.constant 2 : i32
    %barrier3A_8 = arith.constant 0 : index
    tpu.barrier barrier_id(%barrier3A_8)
    %mul3A_9 = arith.constant 640 : i32
    %mul3A_10 = arith.muli %arg1, %mul3A_9 : i32
    %mul3A_11 = arith.constant 640 : i32
    %mul3A_12 = arith.muli %arg1, %mul3A_11 : i32
    "tpu.region"() ({
      %run_scoped3A = tpu.sem_alloc : memref<!tpu.dma_semaphore, #tpu.memory_space<semaphore_mem>>
      %dma_start3A = arith.constant 0 : i32
      %dma_start3A_13 = tpu.memref_slice %arg6[%arg0, %mul3A_12, %dma_start3A] : memref<2x10240x128xf32, #tpu.memory_space<hbm>> -> memref<1x640x128xf32, #tpu.memory_space<hbm>>
      %dma_start3A_14 = tpu.memref_squeeze %dma_start3A_13 : memref<1x640x128xf32, #tpu.memory_space<hbm>> -> memref<640x128xf32, #tpu.memory_space<hbm>>
      %dma_start3A_15 = arith.constant 0 : i32
      %dma_start3A_16 = tpu.memref_slice %arg7[%mul3A_10, %dma_start3A_15] : memref<10240x128xf32, #tpu.memory_space<vmem_shared>> -> memref<640x128xf32, #tpu.memory_space<vmem_shared>>
      tpu.enqueue_dma source(%dma_start3A_16 : memref<640x128xf32, #tpu.memory_space<vmem_shared>>) target(%dma_start3A_14 : memref<640x128xf32, #tpu.memory_space<hbm>>) target_semaphore(%run_scoped3A : memref<!tpu.dma_semaphore, #tpu.memory_space<semaphore_mem>>)
      %dma_wait3A = arith.constant 0 : i32
      %dma_wait3A_17 = tpu.memref_slice %arg6[%arg0, %mul3A_12, %dma_wait3A] : memref<2x10240x128xf32, #tpu.memory_space<hbm>> -> memref<1x640x128xf32, #tpu.memory_space<hbm>>
      %dma_wait3A_18 = tpu.memref_squeeze %dma_wait3A_17 : memref<1x640x128xf32, #tpu.memory_space<hbm>> -> memref<640x128xf32, #tpu.memory_space<hbm>>
      %dma_wait3A_19 = arith.constant 0 : i32
      %dma_wait3A_20 = tpu.memref_slice %arg7[%mul3A_10, %dma_wait3A_19] : memref<10240x128xf32, #tpu.memory_space<vmem_shared>> -> memref<640x128xf32, #tpu.memory_space<vmem_shared>>
      tpu.wait_dma2 semaphore(%run_scoped3A : memref<!tpu.dma_semaphore, #tpu.memory_space<semaphore_mem>>) src(%dma_wait3A_20 : memref<640x128xf32, #tpu.memory_space<vmem_shared>>) dst(%dma_wait3A_18 : memref<640x128xf32, #tpu.memory_space<hbm>>)
      tpu.yield
    }) : () -> ()
    return
  }
}

#map = affine_map<(d0, d1) -> (0, 0, 0)>
#map1 = affine_map<(d0, d1) -> (0, 0)>
module attributes {stable_mosaic.version = 14 : i64} {
  func.func @_deg_kernel(%arg0: i32, %arg1: i32, %arg2: memref<32x125x80xi32, #tpu.memory_space<hbm>>, %arg3: memref<80x128xf32, #tpu.memory_space<hbm>>, %arg4: memref<640x128xf32, #tpu.memory_space<hbm>>, %arg5: memref<2x10240x128xf32, #tpu.memory_space<hbm>>, %arg6: memref<10240x128xf32, #tpu.memory_space<vmem_shared>>, %arg7: memref<125x80xi32, #tpu.memory_space<vmem>>, %arg8: memref<80x128xf32, #tpu.memory_space<vmem>>, %arg9: memref<!tpu.dma_semaphore, #tpu.memory_space<semaphore_mem>>) attributes {dimension_semantics = [#tpu.dimension_semantics<core_parallel>, #tpu.dimension_semantics<subcore_parallel>], iteration_bounds = array<i64: 2, 16>, scalar_prefetch = 0 : i64, scratch_operands = 4 : i64, tpu.core_type = #tpu.core_type<sc_vector_subcore>, window_params = [{transform_indices = #map}, {transform_indices = #map1}, {transform_indices = #map1}, {transform_indices = #map}]} {
    %mul3A = arith.constant 2 : i32
    %mul3A_0 = arith.muli %arg1, %mul3A : i32
    %add3A = arith.addi %mul3A_0, %arg0 : i32
    "tpu.region"() ({
      %run_scoped3A = tpu.sem_alloc : memref<!tpu.dma_semaphore, #tpu.memory_space<semaphore_mem>>
      tpu.enqueue_dma source(%arg3 : memref<80x128xf32, #tpu.memory_space<hbm>>) target(%arg8 : memref<80x128xf32, #tpu.memory_space<vmem>>) target_semaphore(%run_scoped3A : memref<!tpu.dma_semaphore, #tpu.memory_space<semaphore_mem>>)
      tpu.wait_dma2 semaphore(%run_scoped3A : memref<!tpu.dma_semaphore, #tpu.memory_space<semaphore_mem>>) src(%arg3 : memref<80x128xf32, #tpu.memory_space<hbm>>) dst(%arg8 : memref<80x128xf32, #tpu.memory_space<vmem>>)
      tpu.yield
    }) : () -> ()
    "tpu.region"() ({
      %run_scoped3A = tpu.sem_alloc : memref<!tpu.dma_semaphore, #tpu.memory_space<semaphore_mem>>
      %dma_start3A = arith.constant 0 : i32
      %dma_start3A_13 = arith.constant 0 : i32
      %dma_start3A_14 = tpu.memref_slice %arg2[%add3A, %dma_start3A, %dma_start3A_13] : memref<32x125x80xi32, #tpu.memory_space<hbm>> -> memref<1x125x80xi32, #tpu.memory_space<hbm>>
      %dma_start3A_15 = tpu.memref_squeeze %dma_start3A_14 : memref<1x125x80xi32, #tpu.memory_space<hbm>> -> memref<125x80xi32, #tpu.memory_space<hbm>>
      %dma_start3A_16 = arith.constant 0 : i32
      %dma_start3A_17 = arith.constant 0 : i32
      %dma_start3A_18 = tpu.memref_slice %arg2[%add3A, %dma_start3A_16, %dma_start3A_17] : memref<32x125x80xi32, #tpu.memory_space<hbm>> -> memref<1x125x80xi32, #tpu.memory_space<hbm>>
      %dma_start3A_19 = tpu.memref_squeeze %dma_start3A_18 : memref<1x125x80xi32, #tpu.memory_space<hbm>> -> memref<125x80xi32, #tpu.memory_space<hbm>>
      tpu.enqueue_dma source(%dma_start3A_19 : memref<125x80xi32, #tpu.memory_space<hbm>>) target(%arg7 : memref<125x80xi32, #tpu.memory_space<vmem>>) target_semaphore(%run_scoped3A : memref<!tpu.dma_semaphore, #tpu.memory_space<semaphore_mem>>)
      %dma_wait3A = arith.constant 0 : i32
      %dma_wait3A_20 = arith.constant 0 : i32
      %dma_wait3A_21 = tpu.memref_slice %arg2[%add3A, %dma_wait3A, %dma_wait3A_20] : memref<32x125x80xi32, #tpu.memory_space<hbm>> -> memref<1x125x80xi32, #tpu.memory_space<hbm>>
      %dma_wait3A_22 = tpu.memref_squeeze %dma_wait3A_21 : memref<1x125x80xi32, #tpu.memory_space<hbm>> -> memref<125x80xi32, #tpu.memory_space<hbm>>
      %dma_wait3A_23 = arith.constant 0 : i32
      %dma_wait3A_24 = arith.constant 0 : i32
      %dma_wait3A_25 = tpu.memref_slice %arg2[%add3A, %dma_wait3A_23, %dma_wait3A_24] : memref<32x125x80xi32, #tpu.memory_space<hbm>> -> memref<1x125x80xi32, #tpu.memory_space<hbm>>
      %dma_wait3A_26 = tpu.memref_squeeze %dma_wait3A_25 : memref<1x125x80xi32, #tpu.memory_space<hbm>> -> memref<125x80xi32, #tpu.memory_space<hbm>>
      tpu.wait_dma2 semaphore(%run_scoped3A : memref<!tpu.dma_semaphore, #tpu.memory_space<semaphore_mem>>) src(%dma_wait3A_26 : memref<125x80xi32, #tpu.memory_space<hbm>>) dst(%arg7 : memref<125x80xi32, #tpu.memory_space<vmem>>)
      tpu.yield
    }) : () -> ()
    %mul3A_1 = arith.constant 640 : i32
    %mul3A_2 = arith.muli %arg1, %mul3A_1 : i32
    "tpu.region"() ({
      %run_scoped3A = tpu.sem_alloc : memref<!tpu.dma_semaphore, #tpu.memory_space<semaphore_mem>>
      %dma_start3A = arith.constant 0 : i32
      %dma_start3A_13 = tpu.memref_slice %arg6[%mul3A_2, %dma_start3A] : memref<10240x128xf32, #tpu.memory_space<vmem_shared>> -> memref<640x128xf32, #tpu.memory_space<vmem_shared>>
      tpu.enqueue_dma source(%arg4 : memref<640x128xf32, #tpu.memory_space<hbm>>) target(%dma_start3A_13 : memref<640x128xf32, #tpu.memory_space<vmem_shared>>) target_semaphore(%run_scoped3A : memref<!tpu.dma_semaphore, #tpu.memory_space<semaphore_mem>>)
      %dma_wait3A = arith.constant 0 : i32
      %dma_wait3A_14 = tpu.memref_slice %arg6[%mul3A_2, %dma_wait3A] : memref<10240x128xf32, #tpu.memory_space<vmem_shared>> -> memref<640x128xf32, #tpu.memory_space<vmem_shared>>
      tpu.wait_dma2 semaphore(%run_scoped3A : memref<!tpu.dma_semaphore, #tpu.memory_space<semaphore_mem>>) src(%arg4 : memref<640x128xf32, #tpu.memory_space<hbm>>) dst(%dma_wait3A_14 : memref<640x128xf32, #tpu.memory_space<vmem_shared>>)
      tpu.yield
    }) : () -> ()
    %barrier3A = arith.constant 0 : index
    tpu.barrier barrier_id(%barrier3A)
    %scan3A = arith.constant 0 : i32
    %scan3A_3 = arith.constant 0 : i32
    %scan3A_4 = arith.constant 5 : i32
    %scan3A_5 = arith.addi %scan3A_3, %scan3A_4 : i32
    %scan3A_6 = arith.constant 1 : i32
    scf.for %scan3A_13 = %scan3A_3 to %scan3A_5 step %scan3A_6  : i32 {
      %scan3A_14 = arith.constant 0 : i32
      %scan3A_15 = arith.constant 0 : i32
      %scan3A_16 = arith.constant 25 : i32
      %scan3A_17 = arith.addi %scan3A_15, %scan3A_16 : i32
      %scan3A_18 = arith.constant 1 : i32
      scf.for %scan3A_26 = %scan3A_15 to %scan3A_17 step %scan3A_18  : i32 {
        %mul3A_27 = arith.constant 25 : i32
        %mul3A_28 = arith.muli %scan3A_13, %mul3A_27 : i32
        %add3A_29 = arith.addi %mul3A_28, %scan3A_26 : i32
        %dma_start3A = arith.constant 0 : i32
        %dma_start3A_30 = tpu.memref_slice %arg7[%add3A_29, %dma_start3A] : memref<125x80xi32, #tpu.memory_space<vmem>> -> memref<1x80xi32, #tpu.memory_space<vmem>>
        %dma_start3A_31 = tpu.memref_squeeze %dma_start3A_30 : memref<1x80xi32, #tpu.memory_space<vmem>> -> memref<80xi32, #tpu.memory_space<vmem>>
        %dma_start3A_32 = arith.constant 0 : i32
        %dma_start3A_33 = arith.constant 0 : i32
        %dma_start3A_34 = tpu.memref_slice %arg6[%dma_start3A_32, %dma_start3A_33] : memref<10240x128xf32, #tpu.memory_space<vmem_shared>> -> memref<10240x128xf32, #tpu.memory_space<vmem_shared>>
        tpu.enqueue_indirect_dma source(%arg8 : memref<80x128xf32, #tpu.memory_space<vmem>>) target(%dma_start3A_34 : memref<10240x128xf32, #tpu.memory_space<vmem_shared>>) offsets(%dma_start3A_31 : memref<80xi32, #tpu.memory_space<vmem>>) semaphore(%arg9 : memref<!tpu.dma_semaphore, #tpu.memory_space<semaphore_mem>>) {add = true}
      }
      %scan3A_19 = arith.constant 25 : i32
      %scan3A_20 = arith.constant 0 : i32
      %scan3A_21 = arith.constant 0 : i32
      %scan3A_22 = arith.constant 25 : i32
      %scan3A_23 = arith.addi %scan3A_21, %scan3A_22 : i32
      %scan3A_24 = arith.constant 1 : i32
      scf.for %scan3A_26 = %scan3A_21 to %scan3A_23 step %scan3A_24  : i32 {
        %dma_wait3A = arith.constant 0 : i32
        %dma_wait3A_27 = arith.constant 0 : i32
        %dma_wait3A_28 = tpu.memref_slice %arg7[%dma_wait3A, %dma_wait3A_27] : memref<125x80xi32, #tpu.memory_space<vmem>> -> memref<1x80xi32, #tpu.memory_space<vmem>>
        %dma_wait3A_29 = tpu.memref_squeeze %dma_wait3A_28 : memref<1x80xi32, #tpu.memory_space<vmem>> -> memref<80xi32, #tpu.memory_space<vmem>>
        %dma_wait3A_30 = arith.constant 0 : i32
        %dma_wait3A_31 = arith.constant 0 : i32
        %dma_wait3A_32 = tpu.memref_slice %arg6[%dma_wait3A_30, %dma_wait3A_31] : memref<10240x128xf32, #tpu.memory_space<vmem_shared>> -> memref<10240x128xf32, #tpu.memory_space<vmem_shared>>
        tpu.wait_indirect_dma semaphore(%arg9 : memref<!tpu.dma_semaphore, #tpu.memory_space<semaphore_mem>>) src(%arg8 : memref<80x128xf32, #tpu.memory_space<vmem>>) dst(%dma_wait3A_32 : memref<10240x128xf32, #tpu.memory_space<vmem_shared>>)
      }
      %scan3A_25 = arith.constant 25 : i32
    }
    %scan3A_7 = arith.constant 5 : i32
    %barrier3A_8 = arith.constant 0 : index
    tpu.barrier barrier_id(%barrier3A_8)
    %mul3A_9 = arith.constant 640 : i32
    %mul3A_10 = arith.muli %arg1, %mul3A_9 : i32
    %mul3A_11 = arith.constant 640 : i32
    %mul3A_12 = arith.muli %arg1, %mul3A_11 : i32
    "tpu.region"() ({
      %run_scoped3A = tpu.sem_alloc : memref<!tpu.dma_semaphore, #tpu.memory_space<semaphore_mem>>
      %dma_start3A = arith.constant 0 : i32
      %dma_start3A_13 = tpu.memref_slice %arg5[%arg0, %mul3A_12, %dma_start3A] : memref<2x10240x128xf32, #tpu.memory_space<hbm>> -> memref<1x640x128xf32, #tpu.memory_space<hbm>>
      %dma_start3A_14 = tpu.memref_squeeze %dma_start3A_13 : memref<1x640x128xf32, #tpu.memory_space<hbm>> -> memref<640x128xf32, #tpu.memory_space<hbm>>
      %dma_start3A_15 = arith.constant 0 : i32
      %dma_start3A_16 = tpu.memref_slice %arg6[%mul3A_10, %dma_start3A_15] : memref<10240x128xf32, #tpu.memory_space<vmem_shared>> -> memref<640x128xf32, #tpu.memory_space<vmem_shared>>
      tpu.enqueue_dma source(%dma_start3A_16 : memref<640x128xf32, #tpu.memory_space<vmem_shared>>) target(%dma_start3A_14 : memref<640x128xf32, #tpu.memory_space<hbm>>) target_semaphore(%run_scoped3A : memref<!tpu.dma_semaphore, #tpu.memory_space<semaphore_mem>>)
      %dma_wait3A = arith.constant 0 : i32
      %dma_wait3A_17 = tpu.memref_slice %arg5[%arg0, %mul3A_12, %dma_wait3A] : memref<2x10240x128xf32, #tpu.memory_space<hbm>> -> memref<1x640x128xf32, #tpu.memory_space<hbm>>
      %dma_wait3A_18 = tpu.memref_squeeze %dma_wait3A_17 : memref<1x640x128xf32, #tpu.memory_space<hbm>> -> memref<640x128xf32, #tpu.memory_space<hbm>>
      %dma_wait3A_19 = arith.constant 0 : i32
      %dma_wait3A_20 = tpu.memref_slice %arg6[%mul3A_10, %dma_wait3A_19] : memref<10240x128xf32, #tpu.memory_space<vmem_shared>> -> memref<640x128xf32, #tpu.memory_space<vmem_shared>>
      tpu.wait_dma2 semaphore(%run_scoped3A : memref<!tpu.dma_semaphore, #tpu.memory_space<semaphore_mem>>) src(%dma_wait3A_20 : memref<640x128xf32, #tpu.memory_space<vmem_shared>>) dst(%dma_wait3A_18 : memref<640x128xf32, #tpu.memory_space<hbm>>)
      tpu.yield
    }) : () -> ()
    return
  }
}

module attributes {stable_mosaic.version = 14 : i64} {
  func.func @_mm1_body(%arg0: memref<10000x128xf32, #tpu.memory_space<vmem>>, %arg1: memref<128x128xf32, #tpu.memory_space<vmem>>, %arg2: memref<2x10240x128xf32, #tpu.memory_space<vmem>>, %arg3: memref<10000x128xf32, #tpu.memory_space<vmem>>) attributes {dimension_semantics = [], scalar_prefetch = 0 : i64, scratch_operands = 0 : i64, tpu.core_type = #tpu.core_type<tc>} {
    %get3A = arith.constant 0 : index
    %get3A_0 = arith.constant 0 : index
    %get3A_1 = vector.load %arg0[%get3A, %get3A_0] : memref<10000x128xf32, #tpu.memory_space<vmem>>, vector<10000x128xf32>
    %get3A_2 = arith.constant 0 : index
    %get3A_3 = arith.constant 0 : index
    %get3A_4 = vector.load %arg1[%get3A_2, %get3A_3] : memref<128x128xf32, #tpu.memory_space<vmem>>, vector<128x128xf32>
    %dot_general3A = arith.constant dense<0.000000e+00> : vector<10000x128xf32>
    %dot_general3A_5 = tpu.matmul %get3A_1, %get3A_4, %dot_general3A {dimension_numbers = #tpu.dot_dimension_numbers<[1], [0], [0], [1], [0, 0, 1, 1], [], []>, transpose_lhs_hint = false} : vector<10000x128xf32>, vector<128x128xf32>, vector<10000x128xf32> -> vector<10000x128xf32>
    %get3A_6 = arith.constant 0 : index
    %get3A_7 = arith.constant 0 : index
    %get3A_8 = arith.constant 0 : index
    %get3A_9 = vector.load %arg2[%get3A_6, %get3A_7, %get3A_8] : memref<2x10240x128xf32, #tpu.memory_space<vmem>>, vector<1x10000x128xf32>
    %get3A_10 = vector.shape_cast %get3A_9 : vector<1x10000x128xf32> to vector<10000x128xf32>
    %get3A_11 = arith.constant 1 : index
    %get3A_12 = arith.constant 0 : index
    %get3A_13 = arith.constant 0 : index
    %get3A_14 = vector.load %arg2[%get3A_11, %get3A_12, %get3A_13] : memref<2x10240x128xf32, #tpu.memory_space<vmem>>, vector<1x10000x128xf32>
    %get3A_15 = vector.shape_cast %get3A_14 : vector<1x10000x128xf32> to vector<10000x128xf32>
    %add3A = arith.addf %get3A_10, %get3A_15 : vector<10000x128xf32>
    %add3A_16 = arith.constant 1.000000e+00 : f32
    %add3A_17 = vector.broadcast %add3A_16 : f32 to vector<10000x128xf32>
    %add3A_18 = arith.addf %add3A, %add3A_17 : vector<10000x128xf32>
    %rsqrt3A = math.rsqrt %add3A_18 : vector<10000x128xf32>
    %mul3A = arith.mulf %dot_general3A_5, %rsqrt3A : vector<10000x128xf32>
    %swap3A = arith.constant 0 : index
    %swap3A_19 = arith.constant 0 : index
    %swap3A_20 = vector.load %arg3[%swap3A, %swap3A_19] : memref<10000x128xf32, #tpu.memory_space<vmem>>, vector<10000x128xf32>
    tpu.vector_store %arg3[%swap3A, %swap3A_19], %mul3A {strides = array<i32>} : memref<10000x128xf32, #tpu.memory_space<vmem>>, vector<10000x128xf32>,
    return
  }
}

module attributes {stable_mosaic.version = 14 : i64} {
  func.func @_mid_body(%arg0: memref<2x10240x128xf32, #tpu.memory_space<vmem>>, %arg1: memref<10000x128xf32, #tpu.memory_space<vmem>>, %arg2: memref<2x10240x128xf32, #tpu.memory_space<vmem>>, %arg3: memref<1x128xf32, #tpu.memory_space<vmem>>, %arg4: memref<128x128xf32, #tpu.memory_space<vmem>>, %arg5: memref<10000x128xf32, #tpu.memory_space<vmem>>) attributes {dimension_semantics = [], scalar_prefetch = 0 : i64, scratch_operands = 0 : i64, tpu.core_type = #tpu.core_type<tc>} {
    %get3A = arith.constant 0 : index
    %get3A_0 = arith.constant 0 : index
    %get3A_1 = arith.constant 0 : index
    %get3A_2 = vector.load %arg2[%get3A, %get3A_0, %get3A_1] : memref<2x10240x128xf32, #tpu.memory_space<vmem>>, vector<1x10000x128xf32>
    %get3A_3 = vector.shape_cast %get3A_2 : vector<1x10000x128xf32> to vector<10000x128xf32>
    %get3A_4 = arith.constant 1 : index
    %get3A_5 = arith.constant 0 : index
    %get3A_6 = arith.constant 0 : index
    %get3A_7 = vector.load %arg2[%get3A_4, %get3A_5, %get3A_6] : memref<2x10240x128xf32, #tpu.memory_space<vmem>>, vector<1x10000x128xf32>
    %get3A_8 = vector.shape_cast %get3A_7 : vector<1x10000x128xf32> to vector<10000x128xf32>
    %add3A = arith.addf %get3A_3, %get3A_8 : vector<10000x128xf32>
    %add3A_9 = arith.constant 1.000000e+00 : f32
    %add3A_10 = vector.broadcast %add3A_9 : f32 to vector<10000x128xf32>
    %add3A_11 = arith.addf %add3A, %add3A_10 : vector<10000x128xf32>
    %rsqrt3A = math.rsqrt %add3A_11 : vector<10000x128xf32>
    %get3A_12 = arith.constant 0 : index
    %get3A_13 = arith.constant 0 : index
    %get3A_14 = arith.constant 0 : index
    %get3A_15 = vector.load %arg0[%get3A_12, %get3A_13, %get3A_14] : memref<2x10240x128xf32, #tpu.memory_space<vmem>>, vector<1x10000x128xf32>
    %get3A_16 = vector.shape_cast %get3A_15 : vector<1x10000x128xf32> to vector<10000x128xf32>
    %get3A_17 = arith.constant 1 : index
    %get3A_18 = arith.constant 0 : index
    %get3A_19 = arith.constant 0 : index
    %get3A_20 = vector.load %arg0[%get3A_17, %get3A_18, %get3A_19] : memref<2x10240x128xf32, #tpu.memory_space<vmem>>, vector<1x10000x128xf32>
    %get3A_21 = vector.shape_cast %get3A_20 : vector<1x10000x128xf32> to vector<10000x128xf32>
    %add3A_22 = arith.addf %get3A_16, %get3A_21 : vector<10000x128xf32>
    %get3A_23 = arith.constant 0 : index
    %get3A_24 = arith.constant 0 : index
    %get3A_25 = vector.load %arg1[%get3A_23, %get3A_24] : memref<10000x128xf32, #tpu.memory_space<vmem>>, vector<10000x128xf32>
    %add3A_26 = arith.addf %add3A_22, %get3A_25 : vector<10000x128xf32>
    %mul3A = arith.mulf %add3A_26, %rsqrt3A : vector<10000x128xf32>
    %get3A_27 = arith.constant 0 : index
    %get3A_28 = arith.constant 0 : index
    %get3A_29 = vector.load %arg3[%get3A_27, %get3A_28] : memref<1x128xf32, #tpu.memory_space<vmem>>, vector<1x128xf32>
    %add3A_30 = vector.broadcast %get3A_29 : vector<1x128xf32> to vector<10000x128xf32>
    %add3A_31 = arith.addf %mul3A, %add3A_30 : vector<10000x128xf32>
    %max3A = arith.constant 0.000000e+00 : f32
    %max3A_32 = vector.broadcast %max3A : f32 to vector<10000x128xf32>
    %max3A_33 = arith.maximumf %add3A_31, %max3A_32 : vector<10000x128xf32>
    %get3A_34 = arith.constant 0 : index
    %get3A_35 = arith.constant 0 : index
    %get3A_36 = vector.load %arg4[%get3A_34, %get3A_35] : memref<128x128xf32, #tpu.memory_space<vmem>>, vector<128x128xf32>
    %dot_general3A = arith.constant dense<0.000000e+00> : vector<10000x128xf32>
    %dot_general3A_37 = tpu.matmul %max3A_33, %get3A_36, %dot_general3A {dimension_numbers = #tpu.dot_dimension_numbers<[1], [0], [0], [1], [0, 0, 1, 1], [], []>, transpose_lhs_hint = false} : vector<10000x128xf32>, vector<128x128xf32>, vector<10000x128xf32> -> vector<10000x128xf32>
    %mul3A_38 = arith.mulf %dot_general3A_37, %rsqrt3A : vector<10000x128xf32>
    %swap3A = arith.constant 0 : index
    %swap3A_39 = arith.constant 0 : index
    %swap3A_40 = vector.load %arg5[%swap3A, %swap3A_39] : memref<10000x128xf32, #tpu.memory_space<vmem>>, vector<10000x128xf32>
    tpu.vector_store %arg5[%swap3A, %swap3A_39], %mul3A_38 {strides = array<i32>} : memref<10000x128xf32, #tpu.memory_space<vmem>>, vector<10000x128xf32>,
    return
  }
}

module attributes {stable_mosaic.version = 14 : i64} {
  func.func @_final_body(%arg0: memref<2x10240x128xf32, #tpu.memory_space<vmem>>, %arg1: memref<10000x128xf32, #tpu.memory_space<vmem>>, %arg2: memref<2x10240x128xf32, #tpu.memory_space<vmem>>, %arg3: memref<1x128xf32, #tpu.memory_space<vmem>>, %arg4: memref<10000x128xf32, #tpu.memory_space<vmem>>) attributes {dimension_semantics = [], scalar_prefetch = 0 : i64, scratch_operands = 0 : i64, tpu.core_type = #tpu.core_type<tc>} {
    %get3A = arith.constant 0 : index
    %get3A_0 = arith.constant 0 : index
    %get3A_1 = arith.constant 0 : index
    %get3A_2 = vector.load %arg2[%get3A, %get3A_0, %get3A_1] : memref<2x10240x128xf32, #tpu.memory_space<vmem>>, vector<1x10000x128xf32>
    %get3A_3 = vector.shape_cast %get3A_2 : vector<1x10000x128xf32> to vector<10000x128xf32>
    %get3A_4 = arith.constant 1 : index
    %get3A_5 = arith.constant 0 : index
    %get3A_6 = arith.constant 0 : index
    %get3A_7 = vector.load %arg2[%get3A_4, %get3A_5, %get3A_6] : memref<2x10240x128xf32, #tpu.memory_space<vmem>>, vector<1x10000x128xf32>
    %get3A_8 = vector.shape_cast %get3A_7 : vector<1x10000x128xf32> to vector<10000x128xf32>
    %add3A = arith.addf %get3A_3, %get3A_8 : vector<10000x128xf32>
    %add3A_9 = arith.constant 1.000000e+00 : f32
    %add3A_10 = vector.broadcast %add3A_9 : f32 to vector<10000x128xf32>
    %add3A_11 = arith.addf %add3A, %add3A_10 : vector<10000x128xf32>
    %rsqrt3A = math.rsqrt %add3A_11 : vector<10000x128xf32>
    %get3A_12 = arith.constant 0 : index
    %get3A_13 = arith.constant 0 : index
    %get3A_14 = arith.constant 0 : index
    %get3A_15 = vector.load %arg0[%get3A_12, %get3A_13, %get3A_14] : memref<2x10240x128xf32, #tpu.memory_space<vmem>>, vector<1x10000x128xf32>
    %get3A_16 = vector.shape_cast %get3A_15 : vector<1x10000x128xf32> to vector<10000x128xf32>
    %get3A_17 = arith.constant 1 : index
    %get3A_18 = arith.constant 0 : index
    %get3A_19 = arith.constant 0 : index
    %get3A_20 = vector.load %arg0[%get3A_17, %get3A_18, %get3A_19] : memref<2x10240x128xf32, #tpu.memory_space<vmem>>, vector<1x10000x128xf32>
    %get3A_21 = vector.shape_cast %get3A_20 : vector<1x10000x128xf32> to vector<10000x128xf32>
    %add3A_22 = arith.addf %get3A_16, %get3A_21 : vector<10000x128xf32>
    %get3A_23 = arith.constant 0 : index
    %get3A_24 = arith.constant 0 : index
    %get3A_25 = vector.load %arg1[%get3A_23, %get3A_24] : memref<10000x128xf32, #tpu.memory_space<vmem>>, vector<10000x128xf32>
    %add3A_26 = arith.addf %add3A_22, %get3A_25 : vector<10000x128xf32>
    %mul3A = arith.mulf %add3A_26, %rsqrt3A : vector<10000x128xf32>
    %get3A_27 = arith.constant 0 : index
    %get3A_28 = arith.constant 0 : index
    %get3A_29 = vector.load %arg3[%get3A_27, %get3A_28] : memref<1x128xf32, #tpu.memory_space<vmem>>, vector<1x128xf32>
    %add3A_30 = vector.broadcast %get3A_29 : vector<1x128xf32> to vector<10000x128xf32>
    %add3A_31 = arith.addf %mul3A, %add3A_30 : vector<10000x128xf32>
    %max3A = arith.constant 0.000000e+00 : f32
    %max3A_32 = vector.broadcast %max3A : f32 to vector<10000x128xf32>
    %max3A_33 = arith.maximumf %add3A_31, %max3A_32 : vector<10000x128xf32>
    %mul3A_34 = arith.mulf %max3A_33, %max3A_33 : vector<10000x128xf32>
    %reduce_sum3A = arith.constant dense<0.000000e+00> : vector<10000xf32>
    %reduce_sum3A_35 = vector.multi_reduction <add>, %mul3A_34, %reduce_sum3A [1] : vector<10000x128xf32> to vector<10000xf32>
    %broadcast_in_dim3A = vector.shape_cast %reduce_sum3A_35 : vector<10000xf32> to vector<10000x1xf32>
    %sqrt3A = math.sqrt %broadcast_in_dim3A : vector<10000x1xf32>
    %add3A_36 = arith.constant 9.99999996E-13 : f32
    %add3A_37 = vector.broadcast %add3A_36 : f32 to vector<10000x1xf32>
    %add3A_38 = arith.addf %sqrt3A, %add3A_37 : vector<10000x1xf32>
    %div3A = vector.broadcast %add3A_38 : vector<10000x1xf32> to vector<10000x128xf32>
    %div3A_39 = arith.divf %max3A_33, %div3A : vector<10000x128xf32>
    %swap3A = arith.constant 0 : index
    %swap3A_40 = arith.constant 0 : index
    %swap3A_41 = vector.load %arg4[%swap3A, %swap3A_40] : memref<10000x128xf32, #tpu.memory_space<vmem>>, vector<10000x128xf32>
    tpu.vector_store %arg4[%swap3A, %swap3A_40], %div3A_39 {strides = array<i32>} : memref<10000x128xf32, #tpu.memory_space<vmem>>, vector<10000x128xf32>,
    return
  }
}

</mosaic_0001>

<sc_bundles>
// kernel: _impl.11.cloned.1.call-start
scs
__scs_entry_jumppad:
0x0: {  	(pc) =	sbr.rel $0x88, $3  }
0x1: {  	(tag) =	ssettag $0x0;
	lr =	simm.s32 $0x1  }
0x2: {  	[smem:$0x3F9B] =	sst lr;
	_ =	strace $0xD0000000  }
0x3: {  	_ = 	snop  }
0x4: {  	_ = 	snop  }
0x5: {  	_ = 	snop  }
0x6: {  	_ = 	snop  }
0x7: {  	_ = 	snop  }
__scs_overlays_trampoline_lowered:
0x8: {  	[smem:$0x3FAA] =	sst s0  }
0x9: {  	[smem:$0x3FAB] =	sst s1  }
0xa: {  	[smem:$0x3FAC] =	sst s2  }
0xb: {  	[smem:$0x3FAD] =	sst s3  }
0xc: {  	[smem:$0x3FAE] =	sst s4  }
0xd: {  	[smem:$0x3FAF] =	sst s5  }
0xe: {  	[smem:$0x3FB0] =	sst s6  }
0xf: {  	[smem:$0x3FB1] =	sst s7  }
0x10: {  	[smem:$0x3FB2] =	sst s8  }
0x11: {  	[smem:$0x3FB3] =	sst s9;
	s0 =	simm.s32 @!p0 $0x0  }
0x12: {  	s1 =	sld [smem:$0x3F99];
	s0 =	simm.s32 @p0 $0x1  }
0x13: {  	[smem:$0x3FB4] =	sst s0;
	s0 =	simm.s32 @!p1 $0x0  }
0x14: {  	s2 =	sld [smem:$0x3F98];
	s0 =	simm.s32 @p1 $0x1  }
0x15: {  	[smem:$0x3FB5] =	sst s0;
	s0 =	simm.s32 @!p2 $0x0  }
0x16: {  	s3 =	sld [smem:$0x3FDB];
	s0 =	simm.s32 @p2 $0x1  }
0x17: {  	s4 =	simm.s32 $0x1BF5;
	[smem:$0x3FB7] =	sst s0  }
0x18: {  	s0 =	sld [smem:$0x3F9A];
	_ =	swait.ge [sflag:s4], $0x0  }
0x19: {  	s7 =	sld [smem:$0x3F9B]  }
0x1a: {  	s8 =	sadd.s32 $0xFFFFE003, lr  }
0x1b: {  	s9 =	sadd.s32 $0xFFFFFEF7, lr;
	s5 =	simm.s32 $0xFFFFFFFF;
	p2 =	slt.u32 s8, $0xFFFFF086  }
0x1c: {  	p1 =	slt.u32 s9, $0xF7A;
	s5 =	simm.s32 @!p2 $0x0  }
0x1d: {  	s5 =	simm.s32 @p1 $0x1;
	p0 =	seq.s32 s7, s2  }
0x1e: {  	s7 =	smul.u32 @!p0 $0xF7A, s2;
	p2 =	seq.s32 @!p0 s5, $0x0  }
0x1f: {  	s9 =	smul.u32 $0xF7A, s1;
	s8 =	simm.s32 @!p0 $0x1BF5;
	p2 =	por !p2, p0  }
0x20: {  	[sflag:s8] =	ssyncset.s32 @!p0 $0xFFFFF086;
	s6 =	sadd.s32 @!p0 s3, s7;
	s7 =	simm.s32 @!p0 $0x108  }
0x21: {  	s3 =	sadd.s32 s3, s9;
	s6 =	sadd.s32 @!p0 $0x88, s6;
	s7 =	simm.s32 @p2 $0x1082  }
0x22: {  	[simem:s7], [sflag:s8] =	dma.local @!p0 [hbm:s6], $0xF7A  }
0x23: {  	s9 =	sor.u32 $0xD0000000, s2;
	s6 =	simm.s32 $0x108;
	_ =	swait.ge @!p0 [sflag:s8], $0x0  }
0x24: {  	s3 =	sadd.s32 $0x88, s3;
	s6 =	simm.s32 @!p1 $0x1082;
	[sflag:s4] =	ssyncset.s32 $0xFFFFF086  }
0x25: {  	[simem:s6], [sflag:s4] =	dma.local [hbm:s3], $0xF7A  }
0x26: {  	[smem:$0x3F9B] =	sst s1;
	(tag) =	ssettag s2;
	_ =	strace s9  }
0x27: {  	s1 =	sld [smem:$0x3FAB]  }
0x28: {  	s2 =	sld [smem:$0x3FAC]  }
0x29: {  	s4 =	sld [smem:$0x3FAE]  }
0x2a: {  	p0 =	seq.s32 s5, $0x0;
	s5 =	sld [smem:$0x3FAF]  }
0x2b: {  	s6 =	sld [smem:$0x3FB0]  }
0x2c: {  	s7 =	sld [smem:$0x3FB1]  }
0x2d: {  	s3 =	simm.s32 $0x108;
	s8 =	sld [smem:$0x3FB2]  }
0x2e: {  	s3 =	simm.s32 @!p0 $0x1082;
	s9 =	sld [smem:$0x3FB3]  }
0x2f: {  	lr =	sadd.s32 s0, s3;
	s0 =	sld [smem:$0x3FAA]  }
0x30: {  	s3 =	sld [smem:$0x3FAD]  }
0x31: {  	[smem:$0x3FB6] =	sst s10  }
0x32: {  	s10 =	sld [smem:$0x3FB4];
	_ =	sdelay $0x3  }
0x33: {  	p0 =	seq.s32 s10, $0x1;
	s10 =	sld [smem:$0x3FB6];
	_ =	sdelay $0x3  }
0x34: {  	[smem:$0x3FB6] =	sst s10  }
0x35: {  	s10 =	sld [smem:$0x3FB5];
	_ =	sdelay $0x3  }
0x36: {  	p1 =	seq.s32 s10, $0x1;
	s10 =	sld [smem:$0x3FB6];
	_ =	sdelay $0x3  }
0x37: {  	[smem:$0x3FB6] =	sst s10  }
0x38: {  	s10 =	sld [smem:$0x3FB7]  }
0x39: {  	_ = 	snop;
	(pc) =	sbr.ind lr, $3  }
0x3a: {  	_ = 	snop  }
0x3b: {  	_ = 	snop  }
0x3c: {  	p2 =	seq.s32 s10, $0x1;
	s10 =	sld [smem:$0x3FB6]  }
0x3d: {  	_ =	shalt  }
0x3e: {  	_ =	shalt  }
0x3f: {  	_ =	shalt  }
0x40: {  	_ =	shalt  }
0x41: {  	_ =	shalt  }
0x42: {  	_ =	shalt  }
0x43: {  	_ =	shalt  }
0x44: {  	_ =	shalt  }
0x45: {  	_ =	shalt  }
0x46: {  	_ =	shalt  }
0x47: {  	_ =	shalt  }
0x48: {  	_ =	shalt  }
0x49: {  	_ =	shalt  }
0x4a: {  	_ =	shalt  }
0x4b: {  	_ =	shalt  }
0x4c: {  	_ =	shalt  }
0x4d: {  	_ =	shalt  }
0x4e: {  	_ =	shalt  }
0x4f: {  	_ =	shalt  }
0x50: {  	_ =	shalt  }
0x51: {  	_ =	shalt  }
0x52: {  	_ =	shalt  }
0x53: {  	_ =	shalt  }
0x54: {  	_ =	shalt  }
0x55: {  	_ =	shalt  }
0x56: {  	_ =	shalt  }
0x57: {  	_ =	shalt  }
0x58: {  	_ =	shalt  }
0x59: {  	_ =	shalt  }
0x5a: {  	_ =	shalt  }
0x5b: {  	_ =	shalt  }
0x5c: {  	_ =	shalt  }
0x5d: {  	_ =	shalt  }
0x5e: {  	_ =	shalt  }
0x5f: {  	_ =	shalt  }
0x60: {  	_ =	shalt  }
0x61: {  	_ =	shalt  }
0x62: {  	_ =	shalt  }
0x63: {  	_ =	shalt  }
0x64: {  	_ =	shalt  }
0x65: {  	_ =	shalt  }
0x66: {  	_ =	shalt  }
0x67: {  	_ =	shalt  }
0x68: {  	_ =	shalt  }
0x69: {  	_ =	shalt  }
0x6a: {  	_ =	shalt  }
0x6b: {  	_ =	shalt  }
0x6c: {  	_ =	shalt  }
0x6d: {  	_ =	shalt  }
0x6e: {  	_ =	shalt  }
0x6f: {  	_ =	shalt  }
0x70: {  	_ =	shalt  }
0x71: {  	_ =	shalt  }
0x72: {  	_ =	shalt  }
0x73: {  	_ =	shalt  }
0x74: {  	_ =	shalt  }
0x75: {  	_ =	shalt  }
0x76: {  	_ =	shalt  }
0x77: {  	_ =	shalt  }
0x78: {  	_ =	shalt  }
0x79: {  	_ =	shalt  }
0x7a: {  	_ =	shalt  }
0x7b: {  	_ =	shalt  }
0x7c: {  	_ =	shalt  }
0x7d: {  	_ =	shalt  }
0x7e: {  	_ =	shalt  }
0x7f: {  	_ =	shalt  }
0x80: {  	_ =	shalt  }
0x81: {  	_ =	shalt  }
0x82: {  	_ =	shalt  }
0x83: {  	_ =	shalt  }
0x84: {  	_ =	shalt  }
0x85: {  	_ =	shalt  }
0x86: {  	_ =	shalt  }
0x87: {  	_ =	shalt  }
.Lfunc_end0:
.L_simem_size_0:
called_computation.1_lowered:
.L_overlay_start_0:
0x88: {  	s2 =	sld [smem:$0x3FD9]  }
0x89: {  	s3 =	sld [smem:$0x3FFE];
	_ =	sdelay $0x1  }
0x8a: {  	s1 =	srdreg.scid  }
0x8b: {  	s0 =	sand.u32 $0x1, s1  }
0x8c: {  	s17 =	sshll.u32 s0, $0xA;
	s2 =	sadd.s32 s3, s2  }
0x8d: {  	s2 =	sadd.s32 s2, s17  }
0x8e: {  	[smem:$0x3FC2] =	sst s2  }
0x8f: {  	_ = 	snop  }
0x90: {  	s2 =	sld [smem:$0x3FD0];
	(tm) =	ssettm $0x1  }
0x91: {  	s18 =	sld [smem:$0x3FFB];
	_ =	sdelay $0x3  }
0x92: {  	_ =	strace s18  }
0x93: {  	s3 =	sld [smem:$0x3FFC];
	_ =	sdelay $0x3  }
0x94: {  	_ =	strace s3  }
0x95: {  	s3 =	sld [smem:$0x3FFD];
	_ =	sdelay $0x3  }
0x96: {  	_ =	strace s3  }
0x97: {  	_ =	strace $0x8FFFFFFF  }
0x98: {  	s19 =	sld [smem:$0x3FDB];
	_ =	sdelay $0x1  }
0x99: {  	s4 =	simm.s32 $_scs_section_size  }
0x9a: {  	s5 =	simm.s32 $_size__tile_overlayer_lowered;
	s6 =	simm.s32 $_tile_overlayer_lowered  }
0x9b: {  	s22 =	simm.s32 $0x1BFF;
	s21 =	sshll.u32 s6, $0x1;
	s3 =	sadd.s32 s4, s19  }
0x9c: {  	s7 =	simm.s32 $0x0;
	s20 =	sshll.u32 s5, $0x1;
	s5 =	sadd.s32 s21, s3  }
0x9d: {  	[timem:s7], [sflag:s22] =	dma.local [hbm:s5], s20  }
0x9e: {  	_ =	swait.ge [sflag:s22], s20  }
0x9f: {  	s4 =	ssub.s32 $0x0, s20;
	[sflag:s22] =	ssyncset.done $0x0  }
0xa0: {  	[sflag:s22] =	ssyncadd.s32 s4;
	_ =	sdelay $0x1  }
0xa1: {  	s23 =	simm.s32 $0x1B8B  }
0xa2: {  	_ =	swait.ge [sflag:s23], $0x1  }
0xa3: {  	[sflag:s23] =	ssyncset.done $0x0  }
0xa4: {  	s25 =	simm.s32 $0x1B8E;
	s24 =	sld [smem:$0x3FFE];
	[sflag:s23] =	ssyncadd.s32 $0xFFFFFFFF  }
0xa5: {  	s26 =	simm.s32 $execute0_lowered;
	[smem:$0x3FD2] =	sst s25  }
0xa6: {  	s5 =	sshll.u32 s26, $0x1;
	_ =	strace $0x80000049;
	[dreg:$0x1] =	wrdreg $0xFFFFFFFF  }
0xa7: {  	s28 =	simm.s32 $_size_execute0_lowered;
	s3 =	sadd.s32 s3, s5;
	[dreg:$0x0] =	wrdreg $0x0  }
0xa8: {  	s5 =	sshll.u32 s28, $0x1;
	[dreg:$0x2] =	wrdreg s3  }
0xa9: {  	[dreg:$0x3] =	wrdreg s5  }
0xaa: {  	[dreg:$0x4] =	wrdreg $0xC0  }
0xab: {  	_ =	task [dreg:s7], $0x5FFFF  }
0xac: {  	[dreg:$0x1] =	wrdreg $0xFFFFFFFF  }
0xad: {  	[dreg:$0x0] =	wrdreg $0x60  }
0xae: {  	[dreg:$0x2] =	wrdreg s24  }
0xaf: {  	[dreg:$0x3] =	wrdreg s2  }
0xb0: {  	[dreg:$0x4] =	wrdreg $0x0  }
0xb1: {  	[dreg:$0x5] =	wrdreg $0x9  }
0xb2: {  	_ =	task.clear_ibuf [dreg:s7], $0x6FFFF;
	_ =	strace $0x90000049  }
0xb3: {  	s29 =	simm.s32 $0x9;
	_ =	strace $0x8000004B  }
0xb4: {  	_ =	swait.ge [sflag:s29], $0x1  }
0xb5: {  	[sflag:s29] =	ssyncadd.s32 $0xFFFFFFFF  }
0xb6: {  	_ =	strace $0x9000004B  }
0xb7: {  	_ =	sfence  }
0xb8: {  	s30 =	sld [smem:$0x0];
	_ =	sdelay $0x2  }
0xb9: {  	s31 =	sshll.u32 s1, $0xD;
	s1 =	sshrl.u32 s1, $0x2  }
0xba: {  	s3 =	sand.u32 $0x4000, s31;
	s1 =	sadd.s32 s1, s30  }
0xbb: {  	s0 =	sor.u32 s3, s0;
	s1 =	sshll.u32 s1, $0x11  }
0xbc: {  	s0 =	sor.u32 s1, s0  }
0xbd: {  	s0 =	sadd.s32 $0x8F2B, s0  }
0xbe: {  	[sflag:s0] =	ssyncadd.remote.s32 $0x1  }
0xbf: {  	_ =	sfence.sel $0xFFFF  }
0xc0: {  	[dreg:$0x0] =	wrdreg $0xFFFFFFFF;
	(pc) =	sbr.abs _section_cstart, $3  }
0xc1: {  	[dreg:$0x1] =	wrdreg $0xFFFFFFFF  }
0xc2: {  	_ =	task.clear_ibuf [dreg:s7], $0x2FFFF;
	_ =	strace $0x9FFFFFFF  }
0xc3: {  	(tm) =	ssettm $0x7FFFFFFF  }
tec
execute0_lowered:
.L_overlay_start_1:
0x0: {  	(tag) =	ssettag $0x1  }
0x1: {  	s6 =	rddreg [dreg:$0x0]  }
0x2: {  	s1 =	rddreg [dreg:$0x1]  }
0x3: {  	s2 =	rddreg [dreg:$0x2];
	s3 =	srdreg.scid  }
0x4: {  	s0 =	rddreg [dreg:$0x3];
	s4 =	simm.s32 $0x0;
	s15 =	simm.s32 $0x14000  }
0x5: {  	s16 =	simm.s32 $0x15C00;
	s17 =	simm.s32 $0x64;
	s18 =	simm.s32 $0x17800  }
0x6: {  	s19 =	simm.s32 $0x14080;
	s20 =	simm.s32 $0x1AC00;
	s21 =	simm.s32 $0x1  }
0x7: {  	s22 =	simm.s32 $0x2;
	s23 =	simm.s32 $0x3;
	s24 =	simm.s32 $0x4  }
0x8: {  	s28 =	simm.s32 $0x0;
	s7 =	sand.u32 $0x1, s3;
	s3 =	stileid.u32  }
0x9: {  	[smem:$0x7FF] =	sst s4;
	s11 =	sadd.s32 $0x63000, s6;
	s8 =	smul.u32 $0x140000, s7  }
0xa: {  	s12 =	sadd.s32 $0x55000, s6;
	s5 =	sadd.s32 $0x2800, s6;
	s9 =	smul.u32 $0x14000, s3  }
0xb: {  	_ =	strace $0x8000004A;
	s25 =	sshll.u32 s3, $0x1;
	s10 =	smul.u32 $0x50000, s3  }
0xc: {  	s26 =	ssub.s32 $0x2, s7;
	s30 =	sshll.u32 s3, $0x6;
	s7 =	sor.u32 s7, s25  }
0xd: {  	s29 =	sshrl.u32 s26, $0x1;
	s25 =	simm.s32 $0x17400;
	s8 =	sadd.s32 s9, s8  }
0xe: {  	s10 =	sshrl.u32 s10, $0x2;
	s13 =	smul.u32 $0x3800, s7;
	s9 =	ssub.s32 s26, s29  }
0xf: {  	s26 =	simm.s32 $0x17480;
	s8 =	sshrl.u32 s8, $0x3;
	s14 =	sadd.s32 s10, s2  }
0x10: {  	s8 =	sadd.s32 s8, s6;
	s6 =	sor.u32 $0x1C05, s30;
	s31 =	sshrl.u32 s13, $0x3  }
0x11: {  	s7 =	sadd.s32 $0x71000, s8;
	s8 =	smax.u32 s9, $0x1;
	s13 =	sadd.s32 $0x380, s31  }
0x12: {  	s9 =	sadd.s32 s11, s31;
	s10 =	sadd.s32 s12, s31;
	s11 =	sadd.s32 s11, s13  }
0x13: {  	s12 =	sadd.s32 s12, s13;
	s13 =	sshrl.u32 s14, $0x3;
	s14 =	simm.s32 $0x5  }
.LBB2_1:
0x14: {  	[spmem:s13], [sflag:s6] =	dma.local [hbm:s5], $0x2800  }
0x15: {  	_ =	swait.ge [sflag:s14], $0x2800  }
0x16: {  	[sflag:s14] =	ssyncset.done $0x0  }
0x17: {  	[sflag:s14] =	ssyncadd.s32 $0xFFFFD800  }
0x18: {  	[bflag:$0x0] =	sbarrier.arrive $0xFFFF  }
0x19: {  	[tilespmem:s15], [sflag:$0x5] =	stream.linear.gather [hbm4b:s9+s4], $0x1900, $0x38;
	[tilespmem:$0x1E000] =	vst v63  }
0x1a: {  	_ =	swait.ge [sflag:s14], $0x1900  }
0x1b: {  	[sflag:s14] =	ssyncset.done $0x0  }
0x1c: {  	[sflag:s14] =	ssyncadd.s32 $0xFFFFE700  }
0x1d: {  	[tilespmem:s16], [sflag:$0x5] =	stream.linear.gather [hbm4b:s10+s4], $0x1900, $0x38;
	[tilespmem:$0x1E000] =	vst v63  }
0x1e: {  	_ =	swait.ge [sflag:s14], $0x1900  }
0x1f: {  	[sflag:s14] =	ssyncset.done $0x0  }
0x20: {  	[sflag:s14] =	ssyncadd.s32 $0xFFFFE700  }
0x21: {  	[tilespmem:s18], [sflag:$0x1] =	stream.indirect.gather [hbm4b:s1+s17], $0x80, s15, s17, $0xb8;
	[tilespmem:$0x1E000] =	vst v63  }
0x22: {  	_ = 	snop  }
0x23: {  	[tilespmem:s20], [sflag:$0x2] =	stream.indirect.gather [hbm4b:s1+s17], $0x80, s19, s17, $0xb8;
	[tilespmem:$0x1E000] =	vst v63  }
0x24: {  	_ =	swait.ge [sflag:s21], $0x3200  }
0x25: {  	[sflag:s21] =	ssyncset.done $0x0  }
0x26: {  	s29 =	simm.s32 $0x15C00;
	[sflag:s21] =	ssyncadd.s32 $0xFFFFCE00  }
0x27: {  	[spmem:s2] =	stream.indirect.scatter.add.f32 [tilespmem:s18], [sflag:$0x3], $0x80, s29, s17, $0xb8;
	[tilespmem:$0x1E000] =	vst v63  }
0x28: {  	_ =	swait.ge [sflag:s22], $0x3200  }
0x29: {  	[sflag:s22] =	ssyncset.done $0x0  }
0x2a: {  	s29 =	simm.s32 $0x15C80;
	[sflag:s22] =	ssyncadd.s32 $0xFFFFCE00  }
0x2b: {  	[spmem:s2] =	stream.indirect.scatter.add.f32 [tilespmem:s20], [sflag:$0x4], $0x80, s29, s17, $0xb8;
	[tilespmem:$0x1E000] =	vst v63  }
0x2c: {  	_ =	swait.ge [sflag:s23], $0x3200  }
0x2d: {  	[sflag:s23] =	ssyncset.done $0x0  }
0x2e: {  	s29 =	simm.s32 $0x14100;
	[sflag:s23] =	ssyncadd.s32 $0xFFFFCE00  }
0x2f: {  	[tilespmem:s18], [sflag:$0x1] =	stream.indirect.gather [hbm4b:s1+s17], $0x80, s29, s17, $0xb8;
	[tilespmem:$0x1E000] =	vst v63  }
0x30: {  	_ =	swait.ge [sflag:s24], $0x3200  }
0x31: {  	[sflag:s24] =	ssyncset.done $0x0  }
0x32: {  	s30 =	simm.s32 $0x14180;
	s29 =	simm.s32 $0x400;
	[sflag:s24] =	ssyncadd.s32 $0xFFFFCE00  }
.LBB2_2:
0x33: {  	[tilespmem:s20], [sflag:$0x2] =	stream.indirect.gather [hbm4b:s1+s17], $0x80, s30, s17, $0xb8;
	[tilespmem:$0x1E000] =	vst v63  }
0x34: {  	s30 =	smov.u32 s29  }
0x35: {  	p0 =	sne.s32 s29, $0x5C00;
	s29 =	sadd.s32 $0x400, s29;
	_ =	swait.ge [sflag:s21], $0x3200  }
0x36: {  	s30 =	sshra.s32 s30, $0x2;
	[sflag:s21] =	ssyncset.done $0x0  }
0x37: {  	s31 =	sadd.s32 $0x15C00, s30;
	[sflag:s21] =	ssyncadd.s32 $0xFFFFCE00  }
0x38: {  	[spmem:s2] =	stream.indirect.scatter.add.f32 [tilespmem:s18], [sflag:$0x3], $0x80, s31, s17, $0xb8;
	[tilespmem:$0x1E000] =	vst v63  }
0x39: {  	_ =	swait.ge [sflag:s22], $0x3200  }
0x3a: {  	[sflag:s22] =	ssyncset.done $0x0  }
0x3b: {  	s31 =	sadd.s32 $0x15C80, s30;
	[sflag:s22] =	ssyncadd.s32 $0xFFFFCE00  }
0x3c: {  	[spmem:s2] =	stream.indirect.scatter.add.f32 [tilespmem:s20], [sflag:$0x4], $0x80, s31, s17, $0xb8;
	[tilespmem:$0x1E000] =	vst v63  }
0x3d: {  	_ =	swait.ge [sflag:s23], $0x3200  }
0x3e: {  	[sflag:s23] =	ssyncset.done $0x0  }
.Ltmp0:
0x3f: {  	s31 =	sadd.s32 $0x14100, s30;
	[sflag:s23] =	ssyncadd.s32 $0xFFFFCE00;
	(pc) =	sbr.rel @p0 .LBB2_2-.Ltmp0, $4  }
0x40: {  	[tilespmem:s18], [sflag:$0x1] =	stream.indirect.gather [hbm4b:s1+s17], $0x80, s31, s17, $0xb8;
	[tilespmem:$0x1E000] =	vst v63  }
0x41: {  	_ =	swait.ge [sflag:s24], $0x3200  }
0x42: {  	[sflag:s24] =	ssyncset.done $0x0  }
0x43: {  	s30 =	sadd.s32 $0x14180, s30;
	[sflag:s24] =	ssyncadd.s32 $0xFFFFCE00  }
0x44: {  	[tilespmem:s20], [sflag:$0x2] =	stream.indirect.gather [hbm4b:s1+s17], $0x80, s30, s17, $0xb8;
	[tilespmem:$0x1E000] =	vst v63  }
0x45: {  	_ =	swait.ge [sflag:s21], $0x3200  }
0x46: {  	[sflag:s21] =	ssyncset.done $0x0  }
0x47: {  	[sflag:s21] =	ssyncadd.s32 $0xFFFFCE00  }
0x48: {  	[spmem:s2] =	stream.indirect.scatter.add.f32 [tilespmem:s18], [sflag:$0x3], $0x80, s25, s17, $0xb8;
	[tilespmem:$0x1E000] =	vst v63  }
0x49: {  	_ =	swait.ge [sflag:s22], $0x3200  }
0x4a: {  	[sflag:s22] =	ssyncset.done $0x0  }
0x4b: {  	[sflag:s22] =	ssyncadd.s32 $0xFFFFCE00  }
0x4c: {  	[spmem:s2] =	stream.indirect.scatter.add.f32 [tilespmem:s20], [sflag:$0x4], $0x80, s26, s17, $0xb8;
	[tilespmem:$0x1E000] =	vst v63  }
0x4d: {  	_ =	swait.ge [sflag:s23], $0x3200  }
0x4e: {  	[sflag:s23] =	ssyncset.done $0x0  }
0x4f: {  	[sflag:s23] =	ssyncadd.s32 $0xFFFFCE00  }
0x50: {  	_ =	swait.ge [sflag:s24], $0x3200  }
0x51: {  	[sflag:s24] =	ssyncset.done $0x0  }
0x52: {  	s29 =	simm.s32 $0x0;
	[sflag:s24] =	ssyncadd.s32 $0xFFFFCE00  }
0x53: {  	[tilespmem:s15], [sflag:$0x5] =	stream.linear.gather [hbm4b:s11+s29], $0x1900, $0x38;
	[tilespmem:$0x1E000] =	vst v63  }
0x54: {  	_ =	swait.ge [sflag:s14], $0x1900  }
0x55: {  	[sflag:s14] =	ssyncset.done $0x0  }
0x56: {  	[sflag:s14] =	ssyncadd.s32 $0xFFFFE700  }
0x57: {  	[tilespmem:s16], [sflag:$0x5] =	stream.linear.gather [hbm4b:s12+s29], $0x1900, $0x38;
	[tilespmem:$0x1E000] =	vst v63  }
0x58: {  	_ =	swait.ge [sflag:s14], $0x1900  }
0x59: {  	[sflag:s14] =	ssyncset.done $0x0  }
0x5a: {  	[sflag:s14] =	ssyncadd.s32 $0xFFFFE700  }
0x5b: {  	[tilespmem:s18], [sflag:$0x1] =	stream.indirect.gather [hbm4b:s1+s17], $0x80, s15, s17, $0xb8;
	[tilespmem:$0x1E000] =	vst v63  }
0x5c: {  	_ = 	snop  }
0x5d: {  	[tilespmem:s20], [sflag:$0x2] =	stream.indirect.gather [hbm4b:s1+s17], $0x80, s19, s17, $0xb8;
	[tilespmem:$0x1E000] =	vst v63  }
0x5e: {  	_ =	swait.ge [sflag:s21], $0x3200  }
0x5f: {  	[sflag:s21] =	ssyncset.done $0x0  }
0x60: {  	s29 =	simm.s32 $0x15C00;
	[sflag:s21] =	ssyncadd.s32 $0xFFFFCE00  }
0x61: {  	[spmem:s2] =	stream.indirect.scatter.add.f32 [tilespmem:s18], [sflag:$0x3], $0x80, s29, s17, $0xb8;
	[tilespmem:$0x1E000] =	vst v63  }
0x62: {  	_ =	swait.ge [sflag:s22], $0x3200  }
0x63: {  	[sflag:s22] =	ssyncset.done $0x0  }
0x64: {  	s29 =	simm.s32 $0x15C80;
	[sflag:s22] =	ssyncadd.s32 $0xFFFFCE00  }
0x65: {  	[spmem:s2] =	stream.indirect.scatter.add.f32 [tilespmem:s20], [sflag:$0x4], $0x80, s29, s17, $0xb8;
	[tilespmem:$0x1E000] =	vst v63  }
0x66: {  	_ =	swait.ge [sflag:s23], $0x3200  }
0x67: {  	[sflag:s23] =	ssyncset.done $0x0  }
0x68: {  	s29 =	simm.s32 $0x14100;
	[sflag:s23] =	ssyncadd.s32 $0xFFFFCE00  }
0x69: {  	[tilespmem:s18], [sflag:$0x1] =	stream.indirect.gather [hbm4b:s1+s17], $0x80, s29, s17, $0xb8;
	[tilespmem:$0x1E000] =	vst v63  }
0x6a: {  	_ =	swait.ge [sflag:s24], $0x3200  }
0x6b: {  	[sflag:s24] =	ssyncset.done $0x0  }
0x6c: {  	s30 =	simm.s32 $0x14180;
	s29 =	simm.s32 $0x400;
	[sflag:s24] =	ssyncadd.s32 $0xFFFFCE00  }
.LBB2_4:
0x6d: {  	[tilespmem:s20], [sflag:$0x2] =	stream.indirect.gather [hbm4b:s1+s17], $0x80, s30, s17, $0xb8;
	[tilespmem:$0x1E000] =	vst v63  }
0x6e: {  	s30 =	smov.u32 s29  }
0x6f: {  	p0 =	sne.s32 s29, $0x5C00;
	s29 =	sadd.s32 $0x400, s29;
	_ =	swait.ge [sflag:s21], $0x3200  }
0x70: {  	s30 =	sshra.s32 s30, $0x2;
	[sflag:s21] =	ssyncset.done $0x0  }
0x71: {  	s31 =	sadd.s32 $0x15C00, s30;
	[sflag:s21] =	ssyncadd.s32 $0xFFFFCE00  }
0x72: {  	[spmem:s2] =	stream.indirect.scatter.add.f32 [tilespmem:s18], [sflag:$0x3], $0x80, s31, s17, $0xb8;
	[tilespmem:$0x1E000] =	vst v63  }
0x73: {  	_ =	swait.ge [sflag:s22], $0x3200  }
0x74: {  	[sflag:s22] =	ssyncset.done $0x0  }
0x75: {  	s31 =	sadd.s32 $0x15C80, s30;
	[sflag:s22] =	ssyncadd.s32 $0xFFFFCE00  }
0x76: {  	[spmem:s2] =	stream.indirect.scatter.add.f32 [tilespmem:s20], [sflag:$0x4], $0x80, s31, s17, $0xb8;
	[tilespmem:$0x1E000] =	vst v63  }
0x77: {  	_ =	swait.ge [sflag:s23], $0x3200  }
0x78: {  	[sflag:s23] =	ssyncset.done $0x0  }
.Ltmp1:
0x79: {  	s31 =	sadd.s32 $0x14100, s30;
	[sflag:s23] =	ssyncadd.s32 $0xFFFFCE00;
	(pc) =	sbr.rel @p0 .LBB2_4-.Ltmp1, $4  }
0x7a: {  	[tilespmem:s18], [sflag:$0x1] =	stream.indirect.gather [hbm4b:s1+s17], $0x80, s31, s17, $0xb8;
	[tilespmem:$0x1E000] =	vst v63  }
0x7b: {  	_ =	swait.ge [sflag:s24], $0x3200  }
0x7c: {  	[sflag:s24] =	ssyncset.done $0x0  }
0x7d: {  	s30 =	sadd.s32 $0x14180, s30;
	[sflag:s24] =	ssyncadd.s32 $0xFFFFCE00  }
0x7e: {  	[tilespmem:s20], [sflag:$0x2] =	stream.indirect.gather [hbm4b:s1+s17], $0x80, s30, s17, $0xb8;
	[tilespmem:$0x1E000] =	vst v63  }
0x7f: {  	_ =	swait.ge [sflag:s21], $0x3200  }
0x80: {  	[sflag:s21] =	ssyncset.done $0x0  }
0x81: {  	[sflag:s21] =	ssyncadd.s32 $0xFFFFCE00  }
0x82: {  	[spmem:s2] =	stream.indirect.scatter.add.f32 [tilespmem:s18], [sflag:$0x3], $0x80, s25, s17, $0xb8;
	[tilespmem:$0x1E000] =	vst v63  }
0x83: {  	_ =	swait.ge [sflag:s22], $0x3200  }
0x84: {  	[sflag:s22] =	ssyncset.done $0x0  }
0x85: {  	[sflag:s22] =	ssyncadd.s32 $0xFFFFCE00  }
0x86: {  	[spmem:s2] =	stream.indirect.scatter.add.f32 [tilespmem:s20], [sflag:$0x4], $0x80, s26, s17, $0xb8;
	[tilespmem:$0x1E000] =	vst v63  }
0x87: {  	_ =	swait.ge [sflag:s23], $0x3200  }
0x88: {  	[sflag:s23] =	ssyncset.done $0x0  }
0x89: {  	[sflag:s23] =	ssyncadd.s32 $0xFFFFCE00  }
0x8a: {  	_ =	swait.ge [sflag:s24], $0x3200  }
0x8b: {  	s28 =	sadd.s32 $0x1, s28;
	[sflag:s24] =	ssyncset.done $0x0  }
0x8c: {  	p0 =	sne.s32 s28, s8;
	[sflag:s24] =	ssyncadd.s32 $0xFFFFCE00  }
.Ltmp2:
0x8d: {  	[bflag:$0x0] =	sbarrier.arrive $0xFFFF;
	(pc) =	sbr.rel @p0 .LBB2_1-.Ltmp2, $4  }
0x8e: {  	[hbm:s7], [sflag:s6] =	dma.local [spmem:s13], $0x2800  }
0x8f: {  	_ =	swait.ge [sflag:s14], $0x2800  }
0x90: {  	[sflag:s14] =	ssyncset.done $0x0  }
0x91: {  	[sflag:s14] =	ssyncadd.s32 $0xFFFFD800  }
0x92: {  	_ =	sfence.sel $0x180000  }
0x93: {  	[bflag:$0x0] =	sbarrier.arrive $0xFFFF  }
0x94: {  	p0 =	sne.s32 s3, $0x0;
	_ =	strace $0x9000004A  }
0x95: {  	s0 =	sadd.s32 @!p0 $0x100000, s0;
	[bflag:$0x2] =	sbarrier.arrive $0xFFFF  }
0x96: {  	[sflag:s0] =	ssyncadd.tile.s32 @!p0 $0x1;
	_ =	shalt  }
.Lfunc_end2:
_tile_overlayer_lowered:
.L_overlay_start_2:
0x97: {  	(tag) =	ssettag $0x2  }
0x98: {  	s0 =	rddreg [dreg:$0x0];
	s2 =	stileid.u32  }
0x99: {  	s1 =	rddreg [dreg:$0x1];
	p0 =	sne.s32 s2, $0x0  }
0x9a: {  	s3 =	rddreg [dreg:$0x2];
	[bflag:$0x3] =	sbarrier.arrive $0xFFFF;
	s2 =	simm.s32 @!p0 $0x1C05  }
0x9b: {  	[timem:s3], [sflag:s2] =	dma.local @!p0 [hbm:s0], s1  }
0x9c: {  	s0 =	simm.s32 @!p0 $0x5  }
0x9d: {  	_ =	swait.ge @!p0 [sflag:s0], s1  }
0x9e: {  	s1 =	ssub.s32 @!p0 $0x0, s1;
	[sflag:s0] =	ssyncset.done @!p0 $0x0  }
0x9f: {  	[sflag:s0] =	ssyncadd.s32 @!p0 s1  }
0xa0: {  	[bflag:$0x3] =	sbarrier.arrive $0xFFFF  }
0xa1: {  	_ =	shalt  }

// kernel: _impl.14.cloned.1.call-start
scs
__scs_entry_jumppad:
0x0: {  	(pc) =	sbr.rel $0x88, $3  }
0x1: {  	(tag) =	ssettag $0x0;
	lr =	simm.s32 $0x1  }
0x2: {  	[smem:$0x3F9B] =	sst lr;
	_ =	strace $0xD0000000  }
0x3: {  	_ = 	snop  }
0x4: {  	_ = 	snop  }
0x5: {  	_ = 	snop  }
0x6: {  	_ = 	snop  }
0x7: {  	_ = 	snop  }
__scs_overlays_trampoline_lowered:
0x8: {  	[smem:$0x3FAA] =	sst s0  }
0x9: {  	[smem:$0x3FAB] =	sst s1  }
0xa: {  	[smem:$0x3FAC] =	sst s2  }
0xb: {  	[smem:$0x3FAD] =	sst s3  }
0xc: {  	[smem:$0x3FAE] =	sst s4  }
0xd: {  	[smem:$0x3FAF] =	sst s5  }
0xe: {  	[smem:$0x3FB0] =	sst s6  }
0xf: {  	[smem:$0x3FB1] =	sst s7  }
0x10: {  	[smem:$0x3FB2] =	sst s8  }
0x11: {  	[smem:$0x3FB3] =	sst s9;
	s0 =	simm.s32 @!p0 $0x0  }
0x12: {  	s1 =	sld [smem:$0x3F99];
	s0 =	simm.s32 @p0 $0x1  }
0x13: {  	[smem:$0x3FB4] =	sst s0;
	s0 =	simm.s32 @!p1 $0x0  }
0x14: {  	s2 =	sld [smem:$0x3F98];
	s0 =	simm.s32 @p1 $0x1  }
0x15: {  	[smem:$0x3FB5] =	sst s0;
	s0 =	simm.s32 @!p2 $0x0  }
0x16: {  	s3 =	sld [smem:$0x3FDB];
	s0 =	simm.s32 @p2 $0x1  }
0x17: {  	s4 =	simm.s32 $0x1BF5;
	[smem:$0x3FB7] =	sst s0  }
0x18: {  	s0 =	sld [smem:$0x3F9A];
	_ =	swait.ge [sflag:s4], $0x0  }
0x19: {  	s7 =	sld [smem:$0x3F9B]  }
0x1a: {  	s8 =	sadd.s32 $0xFFFFE003, lr  }
0x1b: {  	s9 =	sadd.s32 $0xFFFFFEF7, lr;
	s5 =	simm.s32 $0xFFFFFFFF;
	p2 =	slt.u32 s8, $0xFFFFF086  }
0x1c: {  	p1 =	slt.u32 s9, $0xF7A;
	s5 =	simm.s32 @!p2 $0x0  }
0x1d: {  	s5 =	simm.s32 @p1 $0x1;
	p0 =	seq.s32 s7, s2  }
0x1e: {  	s7 =	smul.u32 @!p0 $0xF7A, s2;
	p2 =	seq.s32 @!p0 s5, $0x0  }
0x1f: {  	s9 =	smul.u32 $0xF7A, s1;
	s8 =	simm.s32 @!p0 $0x1BF5;
	p2 =	por !p2, p0  }
0x20: {  	[sflag:s8] =	ssyncset.s32 @!p0 $0xFFFFF086;
	s6 =	sadd.s32 @!p0 s3, s7;
	s7 =	simm.s32 @!p0 $0x108  }
0x21: {  	s3 =	sadd.s32 s3, s9;
	s6 =	sadd.s32 @!p0 $0x88, s6;
	s7 =	simm.s32 @p2 $0x1082  }
0x22: {  	[simem:s7], [sflag:s8] =	dma.local @!p0 [hbm:s6], $0xF7A  }
0x23: {  	s9 =	sor.u32 $0xD0000000, s2;
	s6 =	simm.s32 $0x108;
	_ =	swait.ge @!p0 [sflag:s8], $0x0  }
0x24: {  	s3 =	sadd.s32 $0x88, s3;
	s6 =	simm.s32 @!p1 $0x1082;
	[sflag:s4] =	ssyncset.s32 $0xFFFFF086  }
0x25: {  	[simem:s6], [sflag:s4] =	dma.local [hbm:s3], $0xF7A  }
0x26: {  	[smem:$0x3F9B] =	sst s1;
	(tag) =	ssettag s2;
	_ =	strace s9  }
0x27: {  	s1 =	sld [smem:$0x3FAB]  }
0x28: {  	s2 =	sld [smem:$0x3FAC]  }
0x29: {  	s4 =	sld [smem:$0x3FAE]  }
0x2a: {  	p0 =	seq.s32 s5, $0x0;
	s5 =	sld [smem:$0x3FAF]  }
0x2b: {  	s6 =	sld [smem:$0x3FB0]  }
0x2c: {  	s7 =	sld [smem:$0x3FB1]  }
0x2d: {  	s3 =	simm.s32 $0x108;
	s8 =	sld [smem:$0x3FB2]  }
0x2e: {  	s3 =	simm.s32 @!p0 $0x1082;
	s9 =	sld [smem:$0x3FB3]  }
0x2f: {  	lr =	sadd.s32 s0, s3;
	s0 =	sld [smem:$0x3FAA]  }
0x30: {  	s3 =	sld [smem:$0x3FAD]  }
0x31: {  	[smem:$0x3FB6] =	sst s10  }
0x32: {  	s10 =	sld [smem:$0x3FB4];
	_ =	sdelay $0x3  }
0x33: {  	p0 =	seq.s32 s10, $0x1;
	s10 =	sld [smem:$0x3FB6];
	_ =	sdelay $0x3  }
0x34: {  	[smem:$0x3FB6] =	sst s10  }
0x35: {  	s10 =	sld [smem:$0x3FB5];
	_ =	sdelay $0x3  }
0x36: {  	p1 =	seq.s32 s10, $0x1;
	s10 =	sld [smem:$0x3FB6];
	_ =	sdelay $0x3  }
0x37: {  	[smem:$0x3FB6] =	sst s10  }
0x38: {  	s10 =	sld [smem:$0x3FB7]  }
0x39: {  	_ = 	snop;
	(pc) =	sbr.ind lr, $3  }
0x3a: {  	_ = 	snop  }
0x3b: {  	_ = 	snop  }
0x3c: {  	p2 =	seq.s32 s10, $0x1;
	s10 =	sld [smem:$0x3FB6]  }
0x3d: {  	_ =	shalt  }
0x3e: {  	_ =	shalt  }
0x3f: {  	_ =	shalt  }
0x40: {  	_ =	shalt  }
0x41: {  	_ =	shalt  }
0x42: {  	_ =	shalt  }
0x43: {  	_ =	shalt  }
0x44: {  	_ =	shalt  }
0x45: {  	_ =	shalt  }
0x46: {  	_ =	shalt  }
0x47: {  	_ =	shalt  }
0x48: {  	_ =	shalt  }
0x49: {  	_ =	shalt  }
0x4a: {  	_ =	shalt  }
0x4b: {  	_ =	shalt  }
0x4c: {  	_ =	shalt  }
0x4d: {  	_ =	shalt  }
0x4e: {  	_ =	shalt  }
0x4f: {  	_ =	shalt  }
0x50: {  	_ =	shalt  }
0x51: {  	_ =	shalt  }
0x52: {  	_ =	shalt  }
0x53: {  	_ =	shalt  }
0x54: {  	_ =	shalt  }
0x55: {  	_ =	shalt  }
0x56: {  	_ =	shalt  }
0x57: {  	_ =	shalt  }
0x58: {  	_ =	shalt  }
0x59: {  	_ =	shalt  }
0x5a: {  	_ =	shalt  }
0x5b: {  	_ =	shalt  }
0x5c: {  	_ =	shalt  }
0x5d: {  	_ =	shalt  }
0x5e: {  	_ =	shalt  }
0x5f: {  	_ =	shalt  }
0x60: {  	_ =	shalt  }
0x61: {  	_ =	shalt  }
0x62: {  	_ =	shalt  }
0x63: {  	_ =	shalt  }
0x64: {  	_ =	shalt  }
0x65: {  	_ =	shalt  }
0x66: {  	_ =	shalt  }
0x67: {  	_ =	shalt  }
0x68: {  	_ =	shalt  }
0x69: {  	_ =	shalt  }
0x6a: {  	_ =	shalt  }
0x6b: {  	_ =	shalt  }
0x6c: {  	_ =	shalt  }
0x6d: {  	_ =	shalt  }
0x6e: {  	_ =	shalt  }
0x6f: {  	_ =	shalt  }
0x70: {  	_ =	shalt  }
0x71: {  	_ =	shalt  }
0x72: {  	_ =	shalt  }
0x73: {  	_ =	shalt  }
0x74: {  	_ =	shalt  }
0x75: {  	_ =	shalt  }
0x76: {  	_ =	shalt  }
0x77: {  	_ =	shalt  }
0x78: {  	_ =	shalt  }
0x79: {  	_ =	shalt  }
0x7a: {  	_ =	shalt  }
0x7b: {  	_ =	shalt  }
0x7c: {  	_ =	shalt  }
0x7d: {  	_ =	shalt  }
0x7e: {  	_ =	shalt  }
0x7f: {  	_ =	shalt  }
0x80: {  	_ =	shalt  }
0x81: {  	_ =	shalt  }
0x82: {  	_ =	shalt  }
0x83: {  	_ =	shalt  }
0x84: {  	_ =	shalt  }
0x85: {  	_ =	shalt  }
0x86: {  	_ =	shalt  }
0x87: {  	_ =	shalt  }
.Lfunc_end0:
.L_simem_size_0:
called_computation.2_lowered:
.L_overlay_start_0:
0x88: {  	s2 =	sld [smem:$0x3FD9]  }
0x89: {  	s3 =	sld [smem:$0x3FFE];
	_ =	sdelay $0x1  }
0x8a: {  	s1 =	srdreg.scid  }
0x8b: {  	s0 =	sand.u32 $0x1, s1  }
0x8c: {  	s17 =	sshll.u32 s0, $0xA;
	s2 =	sadd.s32 s3, s2  }
0x8d: {  	s2 =	sadd.s32 s2, s17  }
0x8e: {  	[smem:$0x3FC2] =	sst s2  }
0x8f: {  	_ = 	snop  }
0x90: {  	s2 =	sld [smem:$0x3FD0];
	(tm) =	ssettm $0x1  }
0x91: {  	s18 =	sld [smem:$0x3FFB];
	_ =	sdelay $0x3  }
0x92: {  	_ =	strace s18  }
0x93: {  	s3 =	sld [smem:$0x3FFC];
	_ =	sdelay $0x3  }
0x94: {  	_ =	strace s3  }
0x95: {  	s3 =	sld [smem:$0x3FFD];
	_ =	sdelay $0x3  }
0x96: {  	_ =	strace s3  }
0x97: {  	_ =	strace $0x8FFFFFFF  }
0x98: {  	s19 =	sld [smem:$0x3FDB];
	_ =	sdelay $0x1  }
0x99: {  	s4 =	simm.s32 $_scs_section_size  }
0x9a: {  	s5 =	simm.s32 $_size__tile_overlayer_lowered;
	s6 =	simm.s32 $_tile_overlayer_lowered  }
0x9b: {  	s22 =	simm.s32 $0x1BFF;
	s21 =	sshll.u32 s6, $0x1;
	s3 =	sadd.s32 s4, s19  }
0x9c: {  	s7 =	simm.s32 $0x0;
	s20 =	sshll.u32 s5, $0x1;
	s5 =	sadd.s32 s21, s3  }
0x9d: {  	[timem:s7], [sflag:s22] =	dma.local [hbm:s5], s20  }
0x9e: {  	_ =	swait.ge [sflag:s22], s20  }
0x9f: {  	s4 =	ssub.s32 $0x0, s20;
	[sflag:s22] =	ssyncset.done $0x0  }
0xa0: {  	[sflag:s22] =	ssyncadd.s32 s4;
	_ =	sdelay $0x1  }
0xa1: {  	s23 =	simm.s32 $0x1B8B  }
0xa2: {  	_ =	swait.ge [sflag:s23], $0x1  }
0xa3: {  	[sflag:s23] =	ssyncset.done $0x0  }
0xa4: {  	s25 =	simm.s32 $0x1B8E;
	s24 =	sld [smem:$0x3FFE];
	[sflag:s23] =	ssyncadd.s32 $0xFFFFFFFF  }
0xa5: {  	s26 =	simm.s32 $execute0_lowered;
	[smem:$0x3FD2] =	sst s25  }
0xa6: {  	s5 =	sshll.u32 s26, $0x1;
	_ =	strace $0x8000004C;
	[dreg:$0x1] =	wrdreg $0xFFFFFFFF  }
0xa7: {  	s28 =	simm.s32 $_size_execute0_lowered;
	s3 =	sadd.s32 s3, s5;
	[dreg:$0x0] =	wrdreg $0x0  }
0xa8: {  	s5 =	sshll.u32 s28, $0x1;
	[dreg:$0x2] =	wrdreg s3  }
0xa9: {  	[dreg:$0x3] =	wrdreg s5  }
0xaa: {  	[dreg:$0x4] =	wrdreg $0xC0  }
0xab: {  	_ =	task [dreg:s7], $0x5FFFF  }
0xac: {  	[dreg:$0x1] =	wrdreg $0xFFFFFFFF  }
0xad: {  	[dreg:$0x0] =	wrdreg $0x60  }
0xae: {  	[dreg:$0x2] =	wrdreg s24  }
0xaf: {  	[dreg:$0x3] =	wrdreg s2  }
0xb0: {  	[dreg:$0x4] =	wrdreg $0x0  }
0xb1: {  	[dreg:$0x5] =	wrdreg $0x9  }
0xb2: {  	_ =	task.clear_ibuf [dreg:s7], $0x6FFFF;
	_ =	strace $0x9000004C  }
0xb3: {  	s29 =	simm.s32 $0x9;
	_ =	strace $0x8000004E  }
0xb4: {  	_ =	swait.ge [sflag:s29], $0x1  }
0xb5: {  	[sflag:s29] =	ssyncadd.s32 $0xFFFFFFFF  }
0xb6: {  	_ =	strace $0x9000004E  }
0xb7: {  	_ =	sfence  }
0xb8: {  	s30 =	sld [smem:$0x0];
	_ =	sdelay $0x2  }
0xb9: {  	s31 =	sshll.u32 s1, $0xD;
	s1 =	sshrl.u32 s1, $0x2  }
0xba: {  	s3 =	sand.u32 $0x4000, s31;
	s1 =	sadd.s32 s1, s30  }
0xbb: {  	s0 =	sor.u32 s3, s0;
	s1 =	sshll.u32 s1, $0x11  }
0xbc: {  	s0 =	sor.u32 s1, s0  }
0xbd: {  	s0 =	sadd.s32 $0x8F2B, s0  }
0xbe: {  	[sflag:s0] =	ssyncadd.remote.s32 $0x1  }
0xbf: {  	_ =	sfence.sel $0xFFFF  }
0xc0: {  	[dreg:$0x0] =	wrdreg $0xFFFFFFFF;
	(pc) =	sbr.abs _section_cstart, $3  }
0xc1: {  	[dreg:$0x1] =	wrdreg $0xFFFFFFFF  }
0xc2: {  	_ =	task.clear_ibuf [dreg:s7], $0x2FFFF;
	_ =	strace $0x9FFFFFFF  }
0xc3: {  	(tm) =	ssettm $0x7FFFFFFF  }
tec
execute0_lowered:
.L_overlay_start_1:
0x0: {  	(tag) =	ssettag $0x1  }
0x1: {  	s6 =	rddreg [dreg:$0x0]  }
0x2: {  	s1 =	rddreg [dreg:$0x1]  }
0x3: {  	s2 =	rddreg [dreg:$0x2];
	s3 =	srdreg.scid  }
0x4: {  	s0 =	rddreg [dreg:$0x3];
	s4 =	simm.s32 $0x0;
	s15 =	simm.s32 $0x14000  }
0x5: {  	s16 =	simm.s32 $0x15C00;
	s17 =	simm.s32 $0x64;
	s18 =	simm.s32 $0x17800  }
0x6: {  	s19 =	simm.s32 $0x14080;
	s20 =	simm.s32 $0x1AC00;
	s21 =	simm.s32 $0x1  }
0x7: {  	s22 =	simm.s32 $0x2;
	s23 =	simm.s32 $0x3;
	s24 =	simm.s32 $0x4  }
0x8: {  	s28 =	simm.s32 $0x0;
	s7 =	sand.u32 $0x1, s3;
	s3 =	stileid.u32  }
0x9: {  	[smem:$0x7FF] =	sst s4;
	s11 =	sadd.s32 $0x63000, s6;
	s8 =	smul.u32 $0x140000, s7  }
0xa: {  	s12 =	sadd.s32 $0x55000, s6;
	s5 =	sadd.s32 $0x2800, s6;
	s9 =	smul.u32 $0x14000, s3  }
0xb: {  	_ =	strace $0x8000004D;
	s25 =	sshll.u32 s3, $0x1;
	s10 =	smul.u32 $0x50000, s3  }
0xc: {  	s26 =	ssub.s32 $0x2, s7;
	s30 =	sshll.u32 s3, $0x6;
	s7 =	sor.u32 s7, s25  }
0xd: {  	s29 =	sshrl.u32 s26, $0x1;
	s25 =	simm.s32 $0x17400;
	s8 =	sadd.s32 s9, s8  }
0xe: {  	s10 =	sshrl.u32 s10, $0x2;
	s13 =	smul.u32 $0x3800, s7;
	s9 =	ssub.s32 s26, s29  }
0xf: {  	s26 =	simm.s32 $0x17480;
	s8 =	sshrl.u32 s8, $0x3;
	s14 =	sadd.s32 s10, s2  }
0x10: {  	s8 =	sadd.s32 s8, s6;
	s6 =	sor.u32 $0x1C05, s30;
	s31 =	sshrl.u32 s13, $0x3  }
0x11: {  	s7 =	sadd.s32 $0x71000, s8;
	s8 =	smax.u32 s9, $0x1;
	s13 =	sadd.s32 $0x380, s31  }
0x12: {  	s9 =	sadd.s32 s11, s31;
	s10 =	sadd.s32 s12, s31;
	s11 =	sadd.s32 s11, s13  }
0x13: {  	s12 =	sadd.s32 s12, s13;
	s13 =	sshrl.u32 s14, $0x3;
	s14 =	simm.s32 $0x5  }
.LBB2_1:
0x14: {  	[spmem:s13], [sflag:s6] =	dma.local [hbm:s5], $0x2800  }
0x15: {  	_ =	swait.ge [sflag:s14], $0x2800  }
0x16: {  	[sflag:s14] =	ssyncset.done $0x0  }
0x17: {  	[sflag:s14] =	ssyncadd.s32 $0xFFFFD800  }
0x18: {  	[bflag:$0x0] =	sbarrier.arrive $0xFFFF  }
0x19: {  	[tilespmem:s15], [sflag:$0x5] =	stream.linear.gather [hbm4b:s9+s4], $0x1900, $0x38;
	[tilespmem:$0x1E000] =	vst v63  }
0x1a: {  	_ =	swait.ge [sflag:s14], $0x1900  }
0x1b: {  	[sflag:s14] =	ssyncset.done $0x0  }
0x1c: {  	[sflag:s14] =	ssyncadd.s32 $0xFFFFE700  }
0x1d: {  	[tilespmem:s16], [sflag:$0x5] =	stream.linear.gather [hbm4b:s10+s4], $0x1900, $0x38;
	[tilespmem:$0x1E000] =	vst v63  }
0x1e: {  	_ =	swait.ge [sflag:s14], $0x1900  }
0x1f: {  	[sflag:s14] =	ssyncset.done $0x0  }
0x20: {  	[sflag:s14] =	ssyncadd.s32 $0xFFFFE700  }
0x21: {  	[tilespmem:s18], [sflag:$0x1] =	stream.indirect.gather [hbm4b:s1+s17], $0x80, s15, s17, $0xb8;
	[tilespmem:$0x1E000] =	vst v63  }
0x22: {  	_ = 	snop  }
0x23: {  	[tilespmem:s20], [sflag:$0x2] =	stream.indirect.gather [hbm4b:s1+s17], $0x80, s19, s17, $0xb8;
	[tilespmem:$0x1E000] =	vst v63  }
0x24: {  	_ =	swait.ge [sflag:s21], $0x3200  }
0x25: {  	[sflag:s21] =	ssyncset.done $0x0  }
0x26: {  	s29 =	simm.s32 $0x15C00;
	[sflag:s21] =	ssyncadd.s32 $0xFFFFCE00  }
0x27: {  	[spmem:s2] =	stream.indirect.scatter.add.f32 [tilespmem:s18], [sflag:$0x3], $0x80, s29, s17, $0xb8;
	[tilespmem:$0x1E000] =	vst v63  }
0x28: {  	_ =	swait.ge [sflag:s22], $0x3200  }
0x29: {  	[sflag:s22] =	ssyncset.done $0x0  }
0x2a: {  	s29 =	simm.s32 $0x15C80;
	[sflag:s22] =	ssyncadd.s32 $0xFFFFCE00  }
0x2b: {  	[spmem:s2] =	stream.indirect.scatter.add.f32 [tilespmem:s20], [sflag:$0x4], $0x80, s29, s17, $0xb8;
	[tilespmem:$0x1E000] =	vst v63  }
0x2c: {  	_ =	swait.ge [sflag:s23], $0x3200  }
0x2d: {  	[sflag:s23] =	ssyncset.done $0x0  }
0x2e: {  	s29 =	simm.s32 $0x14100;
	[sflag:s23] =	ssyncadd.s32 $0xFFFFCE00  }
0x2f: {  	[tilespmem:s18], [sflag:$0x1] =	stream.indirect.gather [hbm4b:s1+s17], $0x80, s29, s17, $0xb8;
	[tilespmem:$0x1E000] =	vst v63  }
0x30: {  	_ =	swait.ge [sflag:s24], $0x3200  }
0x31: {  	[sflag:s24] =	ssyncset.done $0x0  }
0x32: {  	s30 =	simm.s32 $0x14180;
	s29 =	simm.s32 $0x400;
	[sflag:s24] =	ssyncadd.s32 $0xFFFFCE00  }
.LBB2_2:
0x33: {  	[tilespmem:s20], [sflag:$0x2] =	stream.indirect.gather [hbm4b:s1+s17], $0x80, s30, s17, $0xb8;
	[tilespmem:$0x1E000] =	vst v63  }
0x34: {  	s30 =	smov.u32 s29  }
0x35: {  	p0 =	sne.s32 s29, $0x5C00;
	s29 =	sadd.s32 $0x400, s29;
	_ =	swait.ge [sflag:s21], $0x3200  }
0x36: {  	s30 =	sshra.s32 s30, $0x2;
	[sflag:s21] =	ssyncset.done $0x0  }
0x37: {  	s31 =	sadd.s32 $0x15C00, s30;
	[sflag:s21] =	ssyncadd.s32 $0xFFFFCE00  }
0x38: {  	[spmem:s2] =	stream.indirect.scatter.add.f32 [tilespmem:s18], [sflag:$0x3], $0x80, s31, s17, $0xb8;
	[tilespmem:$0x1E000] =	vst v63  }
0x39: {  	_ =	swait.ge [sflag:s22], $0x3200  }
0x3a: {  	[sflag:s22] =	ssyncset.done $0x0  }
0x3b: {  	s31 =	sadd.s32 $0x15C80, s30;
	[sflag:s22] =	ssyncadd.s32 $0xFFFFCE00  }
0x3c: {  	[spmem:s2] =	stream.indirect.scatter.add.f32 [tilespmem:s20], [sflag:$0x4], $0x80, s31, s17, $0xb8;
	[tilespmem:$0x1E000] =	vst v63  }
0x3d: {  	_ =	swait.ge [sflag:s23], $0x3200  }
0x3e: {  	[sflag:s23] =	ssyncset.done $0x0  }
.Ltmp0:
0x3f: {  	s31 =	sadd.s32 $0x14100, s30;
	[sflag:s23] =	ssyncadd.s32 $0xFFFFCE00;
	(pc) =	sbr.rel @p0 .LBB2_2-.Ltmp0, $4  }
0x40: {  	[tilespmem:s18], [sflag:$0x1] =	stream.indirect.gather [hbm4b:s1+s17], $0x80, s31, s17, $0xb8;
	[tilespmem:$0x1E000] =	vst v63  }
0x41: {  	_ =	swait.ge [sflag:s24], $0x3200  }
0x42: {  	[sflag:s24] =	ssyncset.done $0x0  }
0x43: {  	s30 =	sadd.s32 $0x14180, s30;
	[sflag:s24] =	ssyncadd.s32 $0xFFFFCE00  }
0x44: {  	[tilespmem:s20], [sflag:$0x2] =	stream.indirect.gather [hbm4b:s1+s17], $0x80, s30, s17, $0xb8;
	[tilespmem:$0x1E000] =	vst v63  }
0x45: {  	_ =	swait.ge [sflag:s21], $0x3200  }
0x46: {  	[sflag:s21] =	ssyncset.done $0x0  }
0x47: {  	[sflag:s21] =	ssyncadd.s32 $0xFFFFCE00  }
0x48: {  	[spmem:s2] =	stream.indirect.scatter.add.f32 [tilespmem:s18], [sflag:$0x3], $0x80, s25, s17, $0xb8;
	[tilespmem:$0x1E000] =	vst v63  }
0x49: {  	_ =	swait.ge [sflag:s22], $0x3200  }
0x4a: {  	[sflag:s22] =	ssyncset.done $0x0  }
0x4b: {  	[sflag:s22] =	ssyncadd.s32 $0xFFFFCE00  }
0x4c: {  	[spmem:s2] =	stream.indirect.scatter.add.f32 [tilespmem:s20], [sflag:$0x4], $0x80, s26, s17, $0xb8;
	[tilespmem:$0x1E000] =	vst v63  }
0x4d: {  	_ =	swait.ge [sflag:s23], $0x3200  }
0x4e: {  	[sflag:s23] =	ssyncset.done $0x0  }
0x4f: {  	[sflag:s23] =	ssyncadd.s32 $0xFFFFCE00  }
0x50: {  	_ =	swait.ge [sflag:s24], $0x3200  }
0x51: {  	[sflag:s24] =	ssyncset.done $0x0  }
0x52: {  	s29 =	simm.s32 $0x0;
	[sflag:s24] =	ssyncadd.s32 $0xFFFFCE00  }
0x53: {  	[tilespmem:s15], [sflag:$0x5] =	stream.linear.gather [hbm4b:s11+s29], $0x1900, $0x38;
	[tilespmem:$0x1E000] =	vst v63  }
0x54: {  	_ =	swait.ge [sflag:s14], $0x1900  }
0x55: {  	[sflag:s14] =	ssyncset.done $0x0  }
0x56: {  	[sflag:s14] =	ssyncadd.s32 $0xFFFFE700  }
0x57: {  	[tilespmem:s16], [sflag:$0x5] =	stream.linear.gather [hbm4b:s12+s29], $0x1900, $0x38;
	[tilespmem:$0x1E000] =	vst v63  }
0x58: {  	_ =	swait.ge [sflag:s14], $0x1900  }
0x59: {  	[sflag:s14] =	ssyncset.done $0x0  }
0x5a: {  	[sflag:s14] =	ssyncadd.s32 $0xFFFFE700  }
0x5b: {  	[tilespmem:s18], [sflag:$0x1] =	stream.indirect.gather [hbm4b:s1+s17], $0x80, s15, s17, $0xb8;
	[tilespmem:$0x1E000] =	vst v63  }
0x5c: {  	_ = 	snop  }
0x5d: {  	[tilespmem:s20], [sflag:$0x2] =	stream.indirect.gather [hbm4b:s1+s17], $0x80, s19, s17, $0xb8;
	[tilespmem:$0x1E000] =	vst v63  }
0x5e: {  	_ =	swait.ge [sflag:s21], $0x3200  }
0x5f: {  	[sflag:s21] =	ssyncset.done $0x0  }
0x60: {  	s29 =	simm.s32 $0x15C00;
	[sflag:s21] =	ssyncadd.s32 $0xFFFFCE00  }
0x61: {  	[spmem:s2] =	stream.indirect.scatter.add.f32 [tilespmem:s18], [sflag:$0x3], $0x80, s29, s17, $0xb8;
	[tilespmem:$0x1E000] =	vst v63  }
0x62: {  	_ =	swait.ge [sflag:s22], $0x3200  }
0x63: {  	[sflag:s22] =	ssyncset.done $0x0  }
0x64: {  	s29 =	simm.s32 $0x15C80;
	[sflag:s22] =	ssyncadd.s32 $0xFFFFCE00  }
0x65: {  	[spmem:s2] =	stream.indirect.scatter.add.f32 [tilespmem:s20], [sflag:$0x4], $0x80, s29, s17, $0xb8;
	[tilespmem:$0x1E000] =	vst v63  }
0x66: {  	_ =	swait.ge [sflag:s23], $0x3200  }
0x67: {  	[sflag:s23] =	ssyncset.done $0x0  }
0x68: {  	s29 =	simm.s32 $0x14100;
	[sflag:s23] =	ssyncadd.s32 $0xFFFFCE00  }
0x69: {  	[tilespmem:s18], [sflag:$0x1] =	stream.indirect.gather [hbm4b:s1+s17], $0x80, s29, s17, $0xb8;
	[tilespmem:$0x1E000] =	vst v63  }
0x6a: {  	_ =	swait.ge [sflag:s24], $0x3200  }
0x6b: {  	[sflag:s24] =	ssyncset.done $0x0  }
0x6c: {  	s30 =	simm.s32 $0x14180;
	s29 =	simm.s32 $0x400;
	[sflag:s24] =	ssyncadd.s32 $0xFFFFCE00  }
.LBB2_4:
0x6d: {  	[tilespmem:s20], [sflag:$0x2] =	stream.indirect.gather [hbm4b:s1+s17], $0x80, s30, s17, $0xb8;
	[tilespmem:$0x1E000] =	vst v63  }
0x6e: {  	s30 =	smov.u32 s29  }
0x6f: {  	p0 =	sne.s32 s29, $0x5C00;
	s29 =	sadd.s32 $0x400, s29;
	_ =	swait.ge [sflag:s21], $0x3200  }
0x70: {  	s30 =	sshra.s32 s30, $0x2;
	[sflag:s21] =	ssyncset.done $0x0  }
0x71: {  	s31 =	sadd.s32 $0x15C00, s30;
	[sflag:s21] =	ssyncadd.s32 $0xFFFFCE00  }
0x72: {  	[spmem:s2] =	stream.indirect.scatter.add.f32 [tilespmem:s18], [sflag:$0x3], $0x80, s31, s17, $0xb8;
	[tilespmem:$0x1E000] =	vst v63  }
0x73: {  	_ =	swait.ge [sflag:s22], $0x3200  }
0x74: {  	[sflag:s22] =	ssyncset.done $0x0  }
0x75: {  	s31 =	sadd.s32 $0x15C80, s30;
	[sflag:s22] =	ssyncadd.s32 $0xFFFFCE00  }
0x76: {  	[spmem:s2] =	stream.indirect.scatter.add.f32 [tilespmem:s20], [sflag:$0x4], $0x80, s31, s17, $0xb8;
	[tilespmem:$0x1E000] =	vst v63  }
0x77: {  	_ =	swait.ge [sflag:s23], $0x3200  }
0x78: {  	[sflag:s23] =	ssyncset.done $0x0  }
.Ltmp1:
0x79: {  	s31 =	sadd.s32 $0x14100, s30;
	[sflag:s23] =	ssyncadd.s32 $0xFFFFCE00;
	(pc) =	sbr.rel @p0 .LBB2_4-.Ltmp1, $4  }
0x7a: {  	[tilespmem:s18], [sflag:$0x1] =	stream.indirect.gather [hbm4b:s1+s17], $0x80, s31, s17, $0xb8;
	[tilespmem:$0x1E000] =	vst v63  }
0x7b: {  	_ =	swait.ge [sflag:s24], $0x3200  }
0x7c: {  	[sflag:s24] =	ssyncset.done $0x0  }
0x7d: {  	s30 =	sadd.s32 $0x14180, s30;
	[sflag:s24] =	ssyncadd.s32 $0xFFFFCE00  }
0x7e: {  	[tilespmem:s20], [sflag:$0x2] =	stream.indirect.gather [hbm4b:s1+s17], $0x80, s30, s17, $0xb8;
	[tilespmem:$0x1E000] =	vst v63  }
0x7f: {  	_ =	swait.ge [sflag:s21], $0x3200  }
0x80: {  	[sflag:s21] =	ssyncset.done $0x0  }
0x81: {  	[sflag:s21] =	ssyncadd.s32 $0xFFFFCE00  }
0x82: {  	[spmem:s2] =	stream.indirect.scatter.add.f32 [tilespmem:s18], [sflag:$0x3], $0x80, s25, s17, $0xb8;
	[tilespmem:$0x1E000] =	vst v63  }
0x83: {  	_ =	swait.ge [sflag:s22], $0x3200  }
0x84: {  	[sflag:s22] =	ssyncset.done $0x0  }
0x85: {  	[sflag:s22] =	ssyncadd.s32 $0xFFFFCE00  }
0x86: {  	[spmem:s2] =	stream.indirect.scatter.add.f32 [tilespmem:s20], [sflag:$0x4], $0x80, s26, s17, $0xb8;
	[tilespmem:$0x1E000] =	vst v63  }
0x87: {  	_ =	swait.ge [sflag:s23], $0x3200  }
0x88: {  	[sflag:s23] =	ssyncset.done $0x0  }
0x89: {  	[sflag:s23] =	ssyncadd.s32 $0xFFFFCE00  }
0x8a: {  	_ =	swait.ge [sflag:s24], $0x3200  }
0x8b: {  	s28 =	sadd.s32 $0x1, s28;
	[sflag:s24] =	ssyncset.done $0x0  }
0x8c: {  	p0 =	sne.s32 s28, s8;
	[sflag:s24] =	ssyncadd.s32 $0xFFFFCE00  }
.Ltmp2:
0x8d: {  	[bflag:$0x0] =	sbarrier.arrive $0xFFFF;
	(pc) =	sbr.rel @p0 .LBB2_1-.Ltmp2, $4  }
0x8e: {  	[hbm:s7], [sflag:s6] =	dma.local [spmem:s13], $0x2800  }
0x8f: {  	_ =	swait.ge [sflag:s14], $0x2800  }
0x90: {  	[sflag:s14] =	ssyncset.done $0x0  }
0x91: {  	[sflag:s14] =	ssyncadd.s32 $0xFFFFD800  }
0x92: {  	_ =	sfence.sel $0x180000  }
0x93: {  	[bflag:$0x0] =	sbarrier.arrive $0xFFFF  }
0x94: {  	p0 =	sne.s32 s3, $0x0;
	_ =	strace $0x9000004D  }
0x95: {  	s0 =	sadd.s32 @!p0 $0x100000, s0;
	[bflag:$0x2] =	sbarrier.arrive $0xFFFF  }
0x96: {  	[sflag:s0] =	ssyncadd.tile.s32 @!p0 $0x1;
	_ =	shalt  }
.Lfunc_end2:
_tile_overlayer_lowered:
.L_overlay_start_2:
0x97: {  	(tag) =	ssettag $0x2  }
0x98: {  	s0 =	rddreg [dreg:$0x0];
	s2 =	stileid.u32  }
0x99: {  	s1 =	rddreg [dreg:$0x1];
	p0 =	sne.s32 s2, $0x0  }
0x9a: {  	s3 =	rddreg [dreg:$0x2];
	[bflag:$0x3] =	sbarrier.arrive $0xFFFF;
	s2 =	simm.s32 @!p0 $0x1C05  }
0x9b: {  	[timem:s3], [sflag:s2] =	dma.local @!p0 [hbm:s0], s1  }
0x9c: {  	s0 =	simm.s32 @!p0 $0x5  }
0x9d: {  	_ =	swait.ge @!p0 [sflag:s0], s1  }
0x9e: {  	s1 =	ssub.s32 @!p0 $0x0, s1;
	[sflag:s0] =	ssyncset.done @!p0 $0x0  }
0x9f: {  	[sflag:s0] =	ssyncadd.s32 @!p0 s1  }
0xa0: {  	[bflag:$0x3] =	sbarrier.arrive $0xFFFF  }
0xa1: {  	_ =	shalt  }

// kernel: _impl.8.cloned.1.call-start
scs
__scs_entry_jumppad:
0x0: {  	(pc) =	sbr.rel $0x88, $3  }
0x1: {  	(tag) =	ssettag $0x0;
	lr =	simm.s32 $0x1  }
0x2: {  	[smem:$0x3F9B] =	sst lr;
	_ =	strace $0xD0000000  }
0x3: {  	_ = 	snop  }
0x4: {  	_ = 	snop  }
0x5: {  	_ = 	snop  }
0x6: {  	_ = 	snop  }
0x7: {  	_ = 	snop  }
__scs_overlays_trampoline_lowered:
0x8: {  	[smem:$0x3FAA] =	sst s0  }
0x9: {  	[smem:$0x3FAB] =	sst s1  }
0xa: {  	[smem:$0x3FAC] =	sst s2  }
0xb: {  	[smem:$0x3FAD] =	sst s3  }
0xc: {  	[smem:$0x3FAE] =	sst s4  }
0xd: {  	[smem:$0x3FAF] =	sst s5  }
0xe: {  	[smem:$0x3FB0] =	sst s6  }
0xf: {  	[smem:$0x3FB1] =	sst s7  }
0x10: {  	[smem:$0x3FB2] =	sst s8  }
0x11: {  	[smem:$0x3FB3] =	sst s9;
	s0 =	simm.s32 @!p0 $0x0  }
0x12: {  	s1 =	sld [smem:$0x3F99];
	s0 =	simm.s32 @p0 $0x1  }
0x13: {  	[smem:$0x3FB4] =	sst s0;
	s0 =	simm.s32 @!p1 $0x0  }
0x14: {  	s2 =	sld [smem:$0x3F98];
	s0 =	simm.s32 @p1 $0x1  }
0x15: {  	[smem:$0x3FB5] =	sst s0;
	s0 =	simm.s32 @!p2 $0x0  }
0x16: {  	s3 =	sld [smem:$0x3FDB];
	s0 =	simm.s32 @p2 $0x1  }
0x17: {  	s4 =	simm.s32 $0x1BF5;
	[smem:$0x3FB7] =	sst s0  }
0x18: {  	s0 =	sld [smem:$0x3F9A];
	_ =	swait.ge [sflag:s4], $0x0  }
0x19: {  	s7 =	sld [smem:$0x3F9B]  }
0x1a: {  	s8 =	sadd.s32 $0xFFFFE003, lr  }
0x1b: {  	s9 =	sadd.s32 $0xFFFFFEF7, lr;
	s5 =	simm.s32 $0xFFFFFFFF;
	p2 =	slt.u32 s8, $0xFFFFF086  }
0x1c: {  	p1 =	slt.u32 s9, $0xF7A;
	s5 =	simm.s32 @!p2 $0x0  }
0x1d: {  	s5 =	simm.s32 @p1 $0x1;
	p0 =	seq.s32 s7, s2  }
0x1e: {  	s7 =	smul.u32 @!p0 $0xF7A, s2;
	p2 =	seq.s32 @!p0 s5, $0x0  }
0x1f: {  	s9 =	smul.u32 $0xF7A, s1;
	s8 =	simm.s32 @!p0 $0x1BF5;
	p2 =	por !p2, p0  }
0x20: {  	[sflag:s8] =	ssyncset.s32 @!p0 $0xFFFFF086;
	s6 =	sadd.s32 @!p0 s3, s7;
	s7 =	simm.s32 @!p0 $0x108  }
0x21: {  	s3 =	sadd.s32 s3, s9;
	s6 =	sadd.s32 @!p0 $0x88, s6;
	s7 =	simm.s32 @p2 $0x1082  }
0x22: {  	[simem:s7], [sflag:s8] =	dma.local @!p0 [hbm:s6], $0xF7A  }
0x23: {  	s9 =	sor.u32 $0xD0000000, s2;
	s6 =	simm.s32 $0x108;
	_ =	swait.ge @!p0 [sflag:s8], $0x0  }
0x24: {  	s3 =	sadd.s32 $0x88, s3;
	s6 =	simm.s32 @!p1 $0x1082;
	[sflag:s4] =	ssyncset.s32 $0xFFFFF086  }
0x25: {  	[simem:s6], [sflag:s4] =	dma.local [hbm:s3], $0xF7A  }
0x26: {  	[smem:$0x3F9B] =	sst s1;
	(tag) =	ssettag s2;
	_ =	strace s9  }
0x27: {  	s1 =	sld [smem:$0x3FAB]  }
0x28: {  	s2 =	sld [smem:$0x3FAC]  }
0x29: {  	s4 =	sld [smem:$0x3FAE]  }
0x2a: {  	p0 =	seq.s32 s5, $0x0;
	s5 =	sld [smem:$0x3FAF]  }
0x2b: {  	s6 =	sld [smem:$0x3FB0]  }
0x2c: {  	s7 =	sld [smem:$0x3FB1]  }
0x2d: {  	s3 =	simm.s32 $0x108;
	s8 =	sld [smem:$0x3FB2]  }
0x2e: {  	s3 =	simm.s32 @!p0 $0x1082;
	s9 =	sld [smem:$0x3FB3]  }
0x2f: {  	lr =	sadd.s32 s0, s3;
	s0 =	sld [smem:$0x3FAA]  }
0x30: {  	s3 =	sld [smem:$0x3FAD]  }
0x31: {  	[smem:$0x3FB6] =	sst s10  }
0x32: {  	s10 =	sld [smem:$0x3FB4];
	_ =	sdelay $0x3  }
0x33: {  	p0 =	seq.s32 s10, $0x1;
	s10 =	sld [smem:$0x3FB6];
	_ =	sdelay $0x3  }
0x34: {  	[smem:$0x3FB6] =	sst s10  }
0x35: {  	s10 =	sld [smem:$0x3FB5];
	_ =	sdelay $0x3  }
0x36: {  	p1 =	seq.s32 s10, $0x1;
	s10 =	sld [smem:$0x3FB6];
	_ =	sdelay $0x3  }
0x37: {  	[smem:$0x3FB6] =	sst s10  }
0x38: {  	s10 =	sld [smem:$0x3FB7]  }
0x39: {  	_ = 	snop;
	(pc) =	sbr.ind lr, $3  }
0x3a: {  	_ = 	snop  }
0x3b: {  	_ = 	snop  }
0x3c: {  	p2 =	seq.s32 s10, $0x1;
	s10 =	sld [smem:$0x3FB6]  }
0x3d: {  	_ =	shalt  }
0x3e: {  	_ =	shalt  }
0x3f: {  	_ =	shalt  }
0x40: {  	_ =	shalt  }
0x41: {  	_ =	shalt  }
0x42: {  	_ =	shalt  }
0x43: {  	_ =	shalt  }
0x44: {  	_ =	shalt  }
0x45: {  	_ =	shalt  }
0x46: {  	_ =	shalt  }
0x47: {  	_ =	shalt  }
0x48: {  	_ =	shalt  }
0x49: {  	_ =	shalt  }
0x4a: {  	_ =	shalt  }
0x4b: {  	_ =	shalt  }
0x4c: {  	_ =	shalt  }
0x4d: {  	_ =	shalt  }
0x4e: {  	_ =	shalt  }
0x4f: {  	_ =	shalt  }
0x50: {  	_ =	shalt  }
0x51: {  	_ =	shalt  }
0x52: {  	_ =	shalt  }
0x53: {  	_ =	shalt  }
0x54: {  	_ =	shalt  }
0x55: {  	_ =	shalt  }
0x56: {  	_ =	shalt  }
0x57: {  	_ =	shalt  }
0x58: {  	_ =	shalt  }
0x59: {  	_ =	shalt  }
0x5a: {  	_ =	shalt  }
0x5b: {  	_ =	shalt  }
0x5c: {  	_ =	shalt  }
0x5d: {  	_ =	shalt  }
0x5e: {  	_ =	shalt  }
0x5f: {  	_ =	shalt  }
0x60: {  	_ =	shalt  }
0x61: {  	_ =	shalt  }
0x62: {  	_ =	shalt  }
0x63: {  	_ =	shalt  }
0x64: {  	_ =	shalt  }
0x65: {  	_ =	shalt  }
0x66: {  	_ =	shalt  }
0x67: {  	_ =	shalt  }
0x68: {  	_ =	shalt  }
0x69: {  	_ =	shalt  }
0x6a: {  	_ =	shalt  }
0x6b: {  	_ =	shalt  }
0x6c: {  	_ =	shalt  }
0x6d: {  	_ =	shalt  }
0x6e: {  	_ =	shalt  }
0x6f: {  	_ =	shalt  }
0x70: {  	_ =	shalt  }
0x71: {  	_ =	shalt  }
0x72: {  	_ =	shalt  }
0x73: {  	_ =	shalt  }
0x74: {  	_ =	shalt  }
0x75: {  	_ =	shalt  }
0x76: {  	_ =	shalt  }
0x77: {  	_ =	shalt  }
0x78: {  	_ =	shalt  }
0x79: {  	_ =	shalt  }
0x7a: {  	_ =	shalt  }
0x7b: {  	_ =	shalt  }
0x7c: {  	_ =	shalt  }
0x7d: {  	_ =	shalt  }
0x7e: {  	_ =	shalt  }
0x7f: {  	_ =	shalt  }
0x80: {  	_ =	shalt  }
0x81: {  	_ =	shalt  }
0x82: {  	_ =	shalt  }
0x83: {  	_ =	shalt  }
0x84: {  	_ =	shalt  }
0x85: {  	_ =	shalt  }
0x86: {  	_ =	shalt  }
0x87: {  	_ =	shalt  }
.Lfunc_end0:
.L_simem_size_0:
called_computation_lowered:
.L_overlay_start_0:
0x88: {  	s2 =	sld [smem:$0x3FD9]  }
0x89: {  	s3 =	sld [smem:$0x3FFE];
	_ =	sdelay $0x1  }
0x8a: {  	s1 =	srdreg.scid  }
0x8b: {  	s0 =	sand.u32 $0x1, s1  }
0x8c: {  	s17 =	sshll.u32 s0, $0xA;
	s2 =	sadd.s32 s3, s2  }
0x8d: {  	s2 =	sadd.s32 s2, s17  }
0x8e: {  	[smem:$0x3FC2] =	sst s2  }
0x8f: {  	_ = 	snop  }
0x90: {  	s2 =	sld [smem:$0x3FD0];
	(tm) =	ssettm $0x1  }
0x91: {  	s18 =	sld [smem:$0x3FFB];
	_ =	sdelay $0x3  }
0x92: {  	_ =	strace s18  }
0x93: {  	s3 =	sld [smem:$0x3FFC];
	_ =	sdelay $0x3  }
0x94: {  	_ =	strace s3  }
0x95: {  	s3 =	sld [smem:$0x3FFD];
	_ =	sdelay $0x3  }
0x96: {  	_ =	strace s3  }
0x97: {  	_ =	strace $0x8FFFFFFF  }
0x98: {  	s19 =	sld [smem:$0x3FDB];
	_ =	sdelay $0x1  }
0x99: {  	s4 =	simm.s32 $_scs_section_size  }
0x9a: {  	s5 =	simm.s32 $_size__tile_overlayer_lowered;
	s6 =	simm.s32 $_tile_overlayer_lowered  }
0x9b: {  	s22 =	simm.s32 $0x1BFF;
	s21 =	sshll.u32 s6, $0x1;
	s3 =	sadd.s32 s4, s19  }
0x9c: {  	s7 =	simm.s32 $0x0;
	s20 =	sshll.u32 s5, $0x1;
	s5 =	sadd.s32 s21, s3  }
0x9d: {  	[timem:s7], [sflag:s22] =	dma.local [hbm:s5], s20  }
0x9e: {  	_ =	swait.ge [sflag:s22], s20  }
0x9f: {  	s4 =	ssub.s32 $0x0, s20;
	[sflag:s22] =	ssyncset.done $0x0  }
0xa0: {  	[sflag:s22] =	ssyncadd.s32 s4;
	_ =	sdelay $0x1  }
0xa1: {  	s23 =	simm.s32 $0x1B8B  }
0xa2: {  	_ =	swait.ge [sflag:s23], $0x1  }
0xa3: {  	[sflag:s23] =	ssyncset.done $0x0  }
0xa4: {  	s25 =	simm.s32 $0x1B8E;
	s24 =	sld [smem:$0x3FFE];
	[sflag:s23] =	ssyncadd.s32 $0xFFFFFFFF  }
0xa5: {  	s26 =	simm.s32 $execute0_lowered;
	[smem:$0x3FD2] =	sst s25  }
0xa6: {  	s5 =	sshll.u32 s26, $0x1;
	_ =	strace $0x80000046;
	[dreg:$0x1] =	wrdreg $0xFFFFFFFF  }
0xa7: {  	s28 =	simm.s32 $_size_execute0_lowered;
	s3 =	sadd.s32 s3, s5;
	[dreg:$0x0] =	wrdreg $0x0  }
0xa8: {  	s5 =	sshll.u32 s28, $0x1;
	[dreg:$0x2] =	wrdreg s3  }
0xa9: {  	[dreg:$0x3] =	wrdreg s5  }
0xaa: {  	[dreg:$0x4] =	wrdreg $0xC0  }
0xab: {  	_ =	task [dreg:s7], $0x5FFFF  }
0xac: {  	[dreg:$0x1] =	wrdreg $0xFFFFFFFF  }
0xad: {  	[dreg:$0x0] =	wrdreg $0x60  }
0xae: {  	[dreg:$0x2] =	wrdreg s2  }
0xaf: {  	[dreg:$0x3] =	wrdreg s24  }
0xb0: {  	[dreg:$0x4] =	wrdreg $0x0  }
0xb1: {  	[dreg:$0x5] =	wrdreg $0x9  }
0xb2: {  	_ =	task.clear_ibuf [dreg:s7], $0x6FFFF;
	_ =	strace $0x90000046  }
0xb3: {  	s29 =	simm.s32 $0x9;
	_ =	strace $0x80000048  }
0xb4: {  	_ =	swait.ge [sflag:s29], $0x1  }
0xb5: {  	[sflag:s29] =	ssyncadd.s32 $0xFFFFFFFF  }
0xb6: {  	_ =	strace $0x90000048  }
0xb7: {  	_ =	sfence  }
0xb8: {  	s30 =	sld [smem:$0x0];
	_ =	sdelay $0x2  }
0xb9: {  	s31 =	sshll.u32 s1, $0xD;
	s1 =	sshrl.u32 s1, $0x2  }
0xba: {  	s3 =	sand.u32 $0x4000, s31;
	s1 =	sadd.s32 s1, s30  }
0xbb: {  	s0 =	sor.u32 s3, s0;
	s1 =	sshll.u32 s1, $0x11  }
0xbc: {  	s0 =	sor.u32 s1, s0  }
0xbd: {  	s0 =	sadd.s32 $0x8F2B, s0  }
0xbe: {  	[sflag:s0] =	ssyncadd.remote.s32 $0x1  }
0xbf: {  	_ =	sfence.sel $0xFFFF  }
0xc0: {  	[dreg:$0x0] =	wrdreg $0xFFFFFFFF;
	(pc) =	sbr.abs _section_cstart, $3  }
0xc1: {  	[dreg:$0x1] =	wrdreg $0xFFFFFFFF  }
0xc2: {  	_ =	task.clear_ibuf [dreg:s7], $0x2FFFF;
	_ =	strace $0x9FFFFFFF  }
0xc3: {  	(tm) =	ssettm $0x7FFFFFFF  }
tec
execute0_lowered:
.L_overlay_start_1:
0x0: {  	(tag) =	ssettag $0x1  }
0x1: {  	s6 =	rddreg [dreg:$0x0]  }
0x2: {  	s7 =	rddreg [dreg:$0x1]  }
0x3: {  	s2 =	rddreg [dreg:$0x2]  }
0x4: {  	s0 =	srdreg.scid;
	s1 =	rddreg [dreg:$0x3]  }
0x5: {  	s3 =	simm.s32 $0x0;
	s14 =	simm.s32 $0x50;
	s8 =	sand.u32 $0x1, s0  }
0x6: {  	s15 =	simm.s32 $0x1;
	s0 =	stileid.u32;
	s4 =	smul.u32 $0x140000, s8  }
0x7: {  	s16 =	simm.s32 $0x0;
	[smem:$0x7FF] =	sst s3;
	s5 =	smul.u32 $0x14000, s0  }
0x8: {  	_ =	strace $0x80000047;
	s28 =	ssub.s32 $0x2, s8;
	s8 =	sshll.u32 s8, $0xB  }
0x9: {  	s10 =	smul.u32 $0x50000, s0;
	s12 =	sshll.u32 s0, $0xC;
	s31 =	sshll.u32 s0, $0x6  }
0xa: {  	s11 =	sshrl.u32 s28, $0x1;
	s6 =	sadd.s32 s6, s8;
	s4 =	sadd.s32 s5, s4  }
0xb: {  	s5 =	sadd.s32 $0x2800, s7;
	s29 =	ssub.s32 s28, s11;
	s6 =	sadd.s32 s12, s6  }
0xc: {  	s30 =	sshrl.u32 s10, $0x2;
	s10 =	simm.s32 $0x2;
	s11 =	simm.s32 $0x14000  }
0xd: {  	s12 =	sor.u32 $0x1C02, s31;
	s9 =	sshrl.u32 s4, $0x3;
	s4 =	sadd.s32 $0x2200, s7  }
0xe: {  	s13 =	sadd.s32 s30, s2;
	s8 =	smax.u32 s29, $0x1;
	s7 =	sadd.s32 s9, s7  }
0xf: {  	s9 =	simm.s32 $0x18000;
	s13 =	sshrl.u32 s13, $0x3;
	s7 =	sadd.s32 $0x5000, s7  }
.LBB2_1:
0x10: {  	[tilespmem:s9], [sflag:$0x2] =	stream.linear.gather [hbm4b:s4+s3], $0x2800, $0x38;
	[tilespmem:$0x1A800] =	vst v63  }
0x11: {  	_ =	swait.ge [sflag:s10], $0x2800  }
0x12: {  	[sflag:s10] =	ssyncset.done $0x0  }
0x13: {  	[sflag:s10] =	ssyncadd.s32 $0xFFFFD800  }
0x14: {  	[tilespmem:s11], [sflag:$0x2] =	stream.linear.gather [hbm4b:s6+s3], $0x3E80, $0x38;
	[tilespmem:$0x1A800] =	vst v63  }
0x15: {  	_ =	swait.ge [sflag:s10], $0x3E80  }
0x16: {  	[sflag:s10] =	ssyncset.done $0x0  }
0x17: {  	[sflag:s10] =	ssyncadd.s32 $0xFFFFC180  }
0x18: {  	[spmem:s13], [sflag:s12] =	dma.local [hbm:s5], $0x2800  }
0x19: {  	_ =	swait.ge [sflag:s10], $0x2800  }
0x1a: {  	[sflag:s10] =	ssyncset.done $0x0  }
0x1b: {  	[sflag:s10] =	ssyncadd.s32 $0xFFFFD800  }
0x1c: {  	s17 =	simm.s32 $0x14000;
	[bflag:$0x0] =	sbarrier.arrive $0xFFFF  }
0x1d: {  	[spmem:s2] =	stream.indirect.scatter.add.f32 [tilespmem:s9], [sflag:$0x1], $0x80, s17, s14, $0xb8;
	[tilespmem:$0x1A800] =	vst v63  }
0x1e: {  	s20 =	simm.s32 $0x14080  }
0x1f: {  	[spmem:s2] =	stream.indirect.scatter.add.f32 [tilespmem:s9], [sflag:$0x1], $0x80, s20, s14, $0xb8;
	[tilespmem:$0x1A800] =	vst v63  }
0x20: {  	s21 =	simm.s32 $0x14100  }
0x21: {  	[spmem:s2] =	stream.indirect.scatter.add.f32 [tilespmem:s9], [sflag:$0x1], $0x80, s21, s14, $0xb8;
	[tilespmem:$0x1A800] =	vst v63  }
0x22: {  	s22 =	simm.s32 $0x14180  }
0x23: {  	[spmem:s2] =	stream.indirect.scatter.add.f32 [tilespmem:s9], [sflag:$0x1], $0x80, s22, s14, $0xb8;
	[tilespmem:$0x1A800] =	vst v63  }
0x24: {  	s23 =	simm.s32 $0x14200  }
0x25: {  	[spmem:s2] =	stream.indirect.scatter.add.f32 [tilespmem:s9], [sflag:$0x1], $0x80, s23, s14, $0xb8;
	[tilespmem:$0x1A800] =	vst v63  }
0x26: {  	s24 =	simm.s32 $0x14280  }
0x27: {  	[spmem:s2] =	stream.indirect.scatter.add.f32 [tilespmem:s9], [sflag:$0x1], $0x80, s24, s14, $0xb8;
	[tilespmem:$0x1A800] =	vst v63  }
0x28: {  	s25 =	simm.s32 $0x14300  }
0x29: {  	[spmem:s2] =	stream.indirect.scatter.add.f32 [tilespmem:s9], [sflag:$0x1], $0x80, s25, s14, $0xb8;
	[tilespmem:$0x1A800] =	vst v63  }
0x2a: {  	s26 =	simm.s32 $0x14380  }
0x2b: {  	[spmem:s2] =	stream.indirect.scatter.add.f32 [tilespmem:s9], [sflag:$0x1], $0x80, s26, s14, $0xb8;
	[tilespmem:$0x1A800] =	vst v63  }
0x2c: {  	s28 =	simm.s32 $0x14400  }
0x2d: {  	[spmem:s2] =	stream.indirect.scatter.add.f32 [tilespmem:s9], [sflag:$0x1], $0x80, s28, s14, $0xb8;
	[tilespmem:$0x1A800] =	vst v63  }
0x2e: {  	s29 =	simm.s32 $0x14480  }
0x2f: {  	[spmem:s2] =	stream.indirect.scatter.add.f32 [tilespmem:s9], [sflag:$0x1], $0x80, s29, s14, $0xb8;
	[tilespmem:$0x1A800] =	vst v63  }
0x30: {  	s30 =	simm.s32 $0x14500  }
0x31: {  	[spmem:s2] =	stream.indirect.scatter.add.f32 [tilespmem:s9], [sflag:$0x1], $0x80, s30, s14, $0xb8;
	[tilespmem:$0x1A800] =	vst v63  }
0x32: {  	s31 =	simm.s32 $0x14580  }
0x33: {  	[spmem:s2] =	stream.indirect.scatter.add.f32 [tilespmem:s9], [sflag:$0x1], $0x80, s31, s14, $0xb8;
	[tilespmem:$0x1A800] =	vst v63  }
0x34: {  	s18 =	simm.s32 $0x14600  }
0x35: {  	[spmem:s2] =	stream.indirect.scatter.add.f32 [tilespmem:s9], [sflag:$0x1], $0x80, s18, s14, $0xb8;
	[tilespmem:$0x1A800] =	vst v63  }
0x36: {  	s19 =	simm.s32 $0x14680  }
0x37: {  	[spmem:s2] =	stream.indirect.scatter.add.f32 [tilespmem:s9], [sflag:$0x1], $0x80, s19, s14, $0xb8;
	[tilespmem:$0x1A800] =	vst v63  }
0x38: {  	s20 =	simm.s32 $0x14700  }
0x39: {  	[spmem:s2] =	stream.indirect.scatter.add.f32 [tilespmem:s9], [sflag:$0x1], $0x80, s20, s14, $0xb8;
	[tilespmem:$0x1A800] =	vst v63  }
0x3a: {  	s21 =	simm.s32 $0x14780  }
0x3b: {  	[spmem:s2] =	stream.indirect.scatter.add.f32 [tilespmem:s9], [sflag:$0x1], $0x80, s21, s14, $0xb8;
	[tilespmem:$0x1A800] =	vst v63  }
0x3c: {  	s22 =	simm.s32 $0x14800  }
0x3d: {  	[spmem:s2] =	stream.indirect.scatter.add.f32 [tilespmem:s9], [sflag:$0x1], $0x80, s22, s14, $0xb8;
	[tilespmem:$0x1A800] =	vst v63  }
0x3e: {  	s23 =	simm.s32 $0x14880  }
0x3f: {  	[spmem:s2] =	stream.indirect.scatter.add.f32 [tilespmem:s9], [sflag:$0x1], $0x80, s23, s14, $0xb8;
	[tilespmem:$0x1A800] =	vst v63  }
0x40: {  	s24 =	simm.s32 $0x14900  }
0x41: {  	[spmem:s2] =	stream.indirect.scatter.add.f32 [tilespmem:s9], [sflag:$0x1], $0x80, s24, s14, $0xb8;
	[tilespmem:$0x1A800] =	vst v63  }
0x42: {  	s25 =	simm.s32 $0x14980  }
0x43: {  	[spmem:s2] =	stream.indirect.scatter.add.f32 [tilespmem:s9], [sflag:$0x1], $0x80, s25, s14, $0xb8;
	[tilespmem:$0x1A800] =	vst v63  }
0x44: {  	s26 =	simm.s32 $0x14A00  }
0x45: {  	[spmem:s2] =	stream.indirect.scatter.add.f32 [tilespmem:s9], [sflag:$0x1], $0x80, s26, s14, $0xb8;
	[tilespmem:$0x1A800] =	vst v63  }
0x46: {  	s28 =	simm.s32 $0x14A80  }
0x47: {  	[spmem:s2] =	stream.indirect.scatter.add.f32 [tilespmem:s9], [sflag:$0x1], $0x80, s28, s14, $0xb8;
	[tilespmem:$0x1A800] =	vst v63  }
0x48: {  	s29 =	simm.s32 $0x14B00  }
0x49: {  	[spmem:s2] =	stream.indirect.scatter.add.f32 [tilespmem:s9], [sflag:$0x1], $0x80, s29, s14, $0xb8;
	[tilespmem:$0x1A800] =	vst v63  }
0x4a: {  	s30 =	simm.s32 $0x14B80  }
0x4b: {  	[spmem:s2] =	stream.indirect.scatter.add.f32 [tilespmem:s9], [sflag:$0x1], $0x80, s30, s14, $0xb8;
	[tilespmem:$0x1A800] =	vst v63  }
0x4c: {  	s31 =	simm.s32 $0x14C00  }
0x4d: {  	[spmem:s2] =	stream.indirect.scatter.add.f32 [tilespmem:s9], [sflag:$0x1], $0x80, s31, s14, $0xb8;
	[tilespmem:$0x1A800] =	vst v63  }
0x4e: {  	_ =	swait.ge [sflag:s15], $0x2800  }
0x4f: {  	[sflag:s15] =	ssyncset.done $0x0  }
0x50: {  	[sflag:s15] =	ssyncadd.s32 $0xFFFFD800  }
0x51: {  	_ =	swait.ge [sflag:s15], $0x2800  }
0x52: {  	[sflag:s15] =	ssyncset.done $0x0  }
0x53: {  	[sflag:s15] =	ssyncadd.s32 $0xFFFFD800  }
0x54: {  	_ =	swait.ge [sflag:s15], $0x2800  }
0x55: {  	[sflag:s15] =	ssyncset.done $0x0  }
0x56: {  	[sflag:s15] =	ssyncadd.s32 $0xFFFFD800  }
0x57: {  	_ =	swait.ge [sflag:s15], $0x2800  }
0x58: {  	[sflag:s15] =	ssyncset.done $0x0  }
0x59: {  	[sflag:s15] =	ssyncadd.s32 $0xFFFFD800  }
0x5a: {  	_ =	swait.ge [sflag:s15], $0x2800  }
0x5b: {  	[sflag:s15] =	ssyncset.done $0x0  }
0x5c: {  	[sflag:s15] =	ssyncadd.s32 $0xFFFFD800  }
0x5d: {  	_ =	swait.ge [sflag:s15], $0x2800  }
0x5e: {  	[sflag:s15] =	ssyncset.done $0x0  }
0x5f: {  	[sflag:s15] =	ssyncadd.s32 $0xFFFFD800  }
0x60: {  	_ =	swait.ge [sflag:s15], $0x2800  }
0x61: {  	[sflag:s15] =	ssyncset.done $0x0  }
0x62: {  	[sflag:s15] =	ssyncadd.s32 $0xFFFFD800  }
0x63: {  	_ =	swait.ge [sflag:s15], $0x2800  }
0x64: {  	[sflag:s15] =	ssyncset.done $0x0  }
0x65: {  	[sflag:s15] =	ssyncadd.s32 $0xFFFFD800  }
0x66: {  	_ =	swait.ge [sflag:s15], $0x2800  }
0x67: {  	[sflag:s15] =	ssyncset.done $0x0  }
0x68: {  	[sflag:s15] =	ssyncadd.s32 $0xFFFFD800  }
0x69: {  	_ =	swait.ge [sflag:s15], $0x2800  }
0x6a: {  	[sflag:s15] =	ssyncset.done $0x0  }
0x6b: {  	[sflag:s15] =	ssyncadd.s32 $0xFFFFD800  }
0x6c: {  	_ =	swait.ge [sflag:s15], $0x2800  }
0x6d: {  	[sflag:s15] =	ssyncset.done $0x0  }
0x6e: {  	[sflag:s15] =	ssyncadd.s32 $0xFFFFD800  }
0x6f: {  	_ =	swait.ge [sflag:s15], $0x2800  }
0x70: {  	[sflag:s15] =	ssyncset.done $0x0  }
0x71: {  	[sflag:s15] =	ssyncadd.s32 $0xFFFFD800  }
0x72: {  	_ =	swait.ge [sflag:s15], $0x2800  }
0x73: {  	[sflag:s15] =	ssyncset.done $0x0  }
0x74: {  	[sflag:s15] =	ssyncadd.s32 $0xFFFFD800  }
0x75: {  	_ =	swait.ge [sflag:s15], $0x2800  }
0x76: {  	[sflag:s15] =	ssyncset.done $0x0  }
0x77: {  	[sflag:s15] =	ssyncadd.s32 $0xFFFFD800  }
0x78: {  	_ =	swait.ge [sflag:s15], $0x2800  }
0x79: {  	[sflag:s15] =	ssyncset.done $0x0  }
0x7a: {  	[sflag:s15] =	ssyncadd.s32 $0xFFFFD800  }
0x7b: {  	_ =	swait.ge [sflag:s15], $0x2800  }
0x7c: {  	[sflag:s15] =	ssyncset.done $0x0  }
0x7d: {  	[sflag:s15] =	ssyncadd.s32 $0xFFFFD800  }
0x7e: {  	_ =	swait.ge [sflag:s15], $0x2800  }
0x7f: {  	[sflag:s15] =	ssyncset.done $0x0  }
0x80: {  	[sflag:s15] =	ssyncadd.s32 $0xFFFFD800  }
0x81: {  	_ =	swait.ge [sflag:s15], $0x2800  }
0x82: {  	[sflag:s15] =	ssyncset.done $0x0  }
0x83: {  	[sflag:s15] =	ssyncadd.s32 $0xFFFFD800  }
0x84: {  	_ =	swait.ge [sflag:s15], $0x2800  }
0x85: {  	[sflag:s15] =	ssyncset.done $0x0  }
0x86: {  	[sflag:s15] =	ssyncadd.s32 $0xFFFFD800  }
0x87: {  	_ =	swait.ge [sflag:s15], $0x2800  }
0x88: {  	[sflag:s15] =	ssyncset.done $0x0  }
0x89: {  	[sflag:s15] =	ssyncadd.s32 $0xFFFFD800  }
0x8a: {  	_ =	swait.ge [sflag:s15], $0x2800  }
0x8b: {  	[sflag:s15] =	ssyncset.done $0x0  }
0x8c: {  	[sflag:s15] =	ssyncadd.s32 $0xFFFFD800  }
0x8d: {  	_ =	swait.ge [sflag:s15], $0x2800  }
0x8e: {  	[sflag:s15] =	ssyncset.done $0x0  }
0x8f: {  	[sflag:s15] =	ssyncadd.s32 $0xFFFFD800  }
0x90: {  	_ =	swait.ge [sflag:s15], $0x2800  }
0x91: {  	[sflag:s15] =	ssyncset.done $0x0  }
0x92: {  	[sflag:s15] =	ssyncadd.s32 $0xFFFFD800  }
0x93: {  	_ =	swait.ge [sflag:s15], $0x2800  }
0x94: {  	[sflag:s15] =	ssyncset.done $0x0  }
0x95: {  	[sflag:s15] =	ssyncadd.s32 $0xFFFFD800  }
0x96: {  	_ =	swait.ge [sflag:s15], $0x2800  }
0x97: {  	s19 =	simm.s32 $0xC80;
	s20 =	simm.s32 $0x6400;
	[sflag:s15] =	ssyncset.done $0x0  }
.LBB2_2:
0x98: {  	s21 =	sadd.s32 $0x14000, s19  }
0x99: {  	[sflag:s15] =	ssyncadd.s32 $0xFFFFD800;
	s18 =	smov.u32 s20;
	s17 =	sadd.s32 $0x3200, s20  }
0x9a: {  	[spmem:s2] =	stream.indirect.scatter.add.f32 [tilespmem:s9], [sflag:$0x1], $0x80, s21, s14, $0xb8;
	[tilespmem:$0x1A800] =	vst v63  }
0x9b: {  	p0 =	sne.s32 s20, $0xC800;
	s20 =	sadd.s32 $0x14080, s19  }
0x9c: {  	[spmem:s2] =	stream.indirect.scatter.add.f32 [tilespmem:s9], [sflag:$0x1], $0x80, s20, s14, $0xb8;
	[tilespmem:$0x1A800] =	vst v63  }
0x9d: {  	s20 =	sadd.s32 $0x14100, s19  }
0x9e: {  	[spmem:s2] =	stream.indirect.scatter.add.f32 [tilespmem:s9], [sflag:$0x1], $0x80, s20, s14, $0xb8;
	[tilespmem:$0x1A800] =	vst v63  }
0x9f: {  	s20 =	sadd.s32 $0x14180, s19  }
0xa0: {  	[spmem:s2] =	stream.indirect.scatter.add.f32 [tilespmem:s9], [sflag:$0x1], $0x80, s20, s14, $0xb8;
	[tilespmem:$0x1A800] =	vst v63  }
0xa1: {  	s20 =	sadd.s32 $0x14200, s19  }
0xa2: {  	[spmem:s2] =	stream.indirect.scatter.add.f32 [tilespmem:s9], [sflag:$0x1], $0x80, s20, s14, $0xb8;
	[tilespmem:$0x1A800] =	vst v63  }
0xa3: {  	s20 =	sadd.s32 $0x14280, s19  }
0xa4: {  	[spmem:s2] =	stream.indirect.scatter.add.f32 [tilespmem:s9], [sflag:$0x1], $0x80, s20, s14, $0xb8;
	[tilespmem:$0x1A800] =	vst v63  }
0xa5: {  	s20 =	sadd.s32 $0x14300, s19  }
0xa6: {  	[spmem:s2] =	stream.indirect.scatter.add.f32 [tilespmem:s9], [sflag:$0x1], $0x80, s20, s14, $0xb8;
	[tilespmem:$0x1A800] =	vst v63  }
0xa7: {  	s20 =	sadd.s32 $0x14380, s19  }
0xa8: {  	[spmem:s2] =	stream.indirect.scatter.add.f32 [tilespmem:s9], [sflag:$0x1], $0x80, s20, s14, $0xb8;
	[tilespmem:$0x1A800] =	vst v63  }
0xa9: {  	s20 =	sadd.s32 $0x14400, s19  }
0xaa: {  	[spmem:s2] =	stream.indirect.scatter.add.f32 [tilespmem:s9], [sflag:$0x1], $0x80, s20, s14, $0xb8;
	[tilespmem:$0x1A800] =	vst v63  }
0xab: {  	s20 =	sadd.s32 $0x14480, s19  }
0xac: {  	[spmem:s2] =	stream.indirect.scatter.add.f32 [tilespmem:s9], [sflag:$0x1], $0x80, s20, s14, $0xb8;
	[tilespmem:$0x1A800] =	vst v63  }
0xad: {  	s20 =	sadd.s32 $0x14500, s19  }
0xae: {  	[spmem:s2] =	stream.indirect.scatter.add.f32 [tilespmem:s9], [sflag:$0x1], $0x80, s20, s14, $0xb8;
	[tilespmem:$0x1A800] =	vst v63  }
0xaf: {  	s20 =	sadd.s32 $0x14580, s19  }
0xb0: {  	[spmem:s2] =	stream.indirect.scatter.add.f32 [tilespmem:s9], [sflag:$0x1], $0x80, s20, s14, $0xb8;
	[tilespmem:$0x1A800] =	vst v63  }
0xb1: {  	s20 =	sadd.s32 $0x14600, s19  }
0xb2: {  	[spmem:s2] =	stream.indirect.scatter.add.f32 [tilespmem:s9], [sflag:$0x1], $0x80, s20, s14, $0xb8;
	[tilespmem:$0x1A800] =	vst v63  }
0xb3: {  	s20 =	sadd.s32 $0x14680, s19  }
0xb4: {  	[spmem:s2] =	stream.indirect.scatter.add.f32 [tilespmem:s9], [sflag:$0x1], $0x80, s20, s14, $0xb8;
	[tilespmem:$0x1A800] =	vst v63  }
0xb5: {  	s20 =	sadd.s32 $0x14700, s19  }
0xb6: {  	[spmem:s2] =	stream.indirect.scatter.add.f32 [tilespmem:s9], [sflag:$0x1], $0x80, s20, s14, $0xb8;
	[tilespmem:$0x1A800] =	vst v63  }
0xb7: {  	s20 =	sadd.s32 $0x14780, s19  }
0xb8: {  	[spmem:s2] =	stream.indirect.scatter.add.f32 [tilespmem:s9], [sflag:$0x1], $0x80, s20, s14, $0xb8;
	[tilespmem:$0x1A800] =	vst v63  }
0xb9: {  	s20 =	sadd.s32 $0x14800, s19  }
0xba: {  	[spmem:s2] =	stream.indirect.scatter.add.f32 [tilespmem:s9], [sflag:$0x1], $0x80, s20, s14, $0xb8;
	[tilespmem:$0x1A800] =	vst v63  }
0xbb: {  	s20 =	sadd.s32 $0x14880, s19  }
0xbc: {  	[spmem:s2] =	stream.indirect.scatter.add.f32 [tilespmem:s9], [sflag:$0x1], $0x80, s20, s14, $0xb8;
	[tilespmem:$0x1A800] =	vst v63  }
0xbd: {  	s20 =	sadd.s32 $0x14900, s19  }
0xbe: {  	[spmem:s2] =	stream.indirect.scatter.add.f32 [tilespmem:s9], [sflag:$0x1], $0x80, s20, s14, $0xb8;
	[tilespmem:$0x1A800] =	vst v63  }
0xbf: {  	s20 =	sadd.s32 $0x14980, s19  }
0xc0: {  	[spmem:s2] =	stream.indirect.scatter.add.f32 [tilespmem:s9], [sflag:$0x1], $0x80, s20, s14, $0xb8;
	[tilespmem:$0x1A800] =	vst v63  }
0xc1: {  	s20 =	sadd.s32 $0x14A00, s19  }
0xc2: {  	[spmem:s2] =	stream.indirect.scatter.add.f32 [tilespmem:s9], [sflag:$0x1], $0x80, s20, s14, $0xb8;
	[tilespmem:$0x1A800] =	vst v63  }
0xc3: {  	s20 =	sadd.s32 $0x14A80, s19  }
0xc4: {  	[spmem:s2] =	stream.indirect.scatter.add.f32 [tilespmem:s9], [sflag:$0x1], $0x80, s20, s14, $0xb8;
	[tilespmem:$0x1A800] =	vst v63  }
0xc5: {  	s20 =	sadd.s32 $0x14B00, s19  }
0xc6: {  	[spmem:s2] =	stream.indirect.scatter.add.f32 [tilespmem:s9], [sflag:$0x1], $0x80, s20, s14, $0xb8;
	[tilespmem:$0x1A800] =	vst v63  }
0xc7: {  	s20 =	sadd.s32 $0x14B80, s19  }
0xc8: {  	[spmem:s2] =	stream.indirect.scatter.add.f32 [tilespmem:s9], [sflag:$0x1], $0x80, s20, s14, $0xb8;
	[tilespmem:$0x1A800] =	vst v63  }
0xc9: {  	s19 =	sadd.s32 $0x14C00, s19  }
0xca: {  	[spmem:s2] =	stream.indirect.scatter.add.f32 [tilespmem:s9], [sflag:$0x1], $0x80, s19, s14, $0xb8;
	[tilespmem:$0x1A800] =	vst v63  }
0xcb: {  	_ =	swait.ge [sflag:s15], $0x2800  }
0xcc: {  	[sflag:s15] =	ssyncset.done $0x0  }
0xcd: {  	[sflag:s15] =	ssyncadd.s32 $0xFFFFD800  }
0xce: {  	_ =	swait.ge [sflag:s15], $0x2800  }
0xcf: {  	[sflag:s15] =	ssyncset.done $0x0  }
0xd0: {  	[sflag:s15] =	ssyncadd.s32 $0xFFFFD800  }
0xd1: {  	_ =	swait.ge [sflag:s15], $0x2800  }
0xd2: {  	[sflag:s15] =	ssyncset.done $0x0  }
0xd3: {  	[sflag:s15] =	ssyncadd.s32 $0xFFFFD800  }
0xd4: {  	_ =	swait.ge [sflag:s15], $0x2800  }
0xd5: {  	[sflag:s15] =	ssyncset.done $0x0  }
0xd6: {  	[sflag:s15] =	ssyncadd.s32 $0xFFFFD800  }
0xd7: {  	_ =	swait.ge [sflag:s15], $0x2800  }
0xd8: {  	[sflag:s15] =	ssyncset.done $0x0  }
0xd9: {  	[sflag:s15] =	ssyncadd.s32 $0xFFFFD800  }
0xda: {  	_ =	swait.ge [sflag:s15], $0x2800  }
0xdb: {  	[sflag:s15] =	ssyncset.done $0x0  }
0xdc: {  	[sflag:s15] =	ssyncadd.s32 $0xFFFFD800  }
0xdd: {  	_ =	swait.ge [sflag:s15], $0x2800  }
0xde: {  	[sflag:s15] =	ssyncset.done $0x0  }
0xdf: {  	[sflag:s15] =	ssyncadd.s32 $0xFFFFD800  }
0xe0: {  	_ =	swait.ge [sflag:s15], $0x2800  }
0xe1: {  	[sflag:s15] =	ssyncset.done $0x0  }
0xe2: {  	[sflag:s15] =	ssyncadd.s32 $0xFFFFD800  }
0xe3: {  	_ =	swait.ge [sflag:s15], $0x2800  }
0xe4: {  	[sflag:s15] =	ssyncset.done $0x0  }
0xe5: {  	[sflag:s15] =	ssyncadd.s32 $0xFFFFD800  }
0xe6: {  	_ =	swait.ge [sflag:s15], $0x2800  }
0xe7: {  	[sflag:s15] =	ssyncset.done $0x0  }
0xe8: {  	[sflag:s15] =	ssyncadd.s32 $0xFFFFD800  }
0xe9: {  	_ =	swait.ge [sflag:s15], $0x2800  }
0xea: {  	[sflag:s15] =	ssyncset.done $0x0  }
0xeb: {  	[sflag:s15] =	ssyncadd.s32 $0xFFFFD800  }
0xec: {  	_ =	swait.ge [sflag:s15], $0x2800  }
0xed: {  	[sflag:s15] =	ssyncset.done $0x0  }
0xee: {  	[sflag:s15] =	ssyncadd.s32 $0xFFFFD800  }
0xef: {  	_ =	swait.ge [sflag:s15], $0x2800  }
0xf0: {  	[sflag:s15] =	ssyncset.done $0x0  }
0xf1: {  	[sflag:s15] =	ssyncadd.s32 $0xFFFFD800  }
0xf2: {  	_ =	swait.ge [sflag:s15], $0x2800  }
0xf3: {  	[sflag:s15] =	ssyncset.done $0x0  }
0xf4: {  	[sflag:s15] =	ssyncadd.s32 $0xFFFFD800  }
0xf5: {  	_ =	swait.ge [sflag:s15], $0x2800  }
0xf6: {  	[sflag:s15] =	ssyncset.done $0x0  }
0xf7: {  	[sflag:s15] =	ssyncadd.s32 $0xFFFFD800  }
0xf8: {  	_ =	swait.ge [sflag:s15], $0x2800  }
0xf9: {  	[sflag:s15] =	ssyncset.done $0x0  }
0xfa: {  	[sflag:s15] =	ssyncadd.s32 $0xFFFFD800  }
0xfb: {  	_ =	swait.ge [sflag:s15], $0x2800  }
0xfc: {  	[sflag:s15] =	ssyncset.done $0x0  }
0xfd: {  	[sflag:s15] =	ssyncadd.s32 $0xFFFFD800  }
0xfe: {  	_ =	swait.ge [sflag:s15], $0x2800  }
0xff: {  	[sflag:s15] =	ssyncset.done $0x0  }
0x100: {  	[sflag:s15] =	ssyncadd.s32 $0xFFFFD800  }
0x101: {  	_ =	swait.ge [sflag:s15], $0x2800  }
0x102: {  	[sflag:s15] =	ssyncset.done $0x0  }
0x103: {  	[sflag:s15] =	ssyncadd.s32 $0xFFFFD800  }
0x104: {  	_ =	swait.ge [sflag:s15], $0x2800  }
0x105: {  	[sflag:s15] =	ssyncset.done $0x0  }
0x106: {  	[sflag:s15] =	ssyncadd.s32 $0xFFFFD800  }
0x107: {  	_ =	swait.ge [sflag:s15], $0x2800  }
0x108: {  	[sflag:s15] =	ssyncset.done $0x0  }
0x109: {  	[sflag:s15] =	ssyncadd.s32 $0xFFFFD800  }
0x10a: {  	_ =	swait.ge [sflag:s15], $0x2800  }
0x10b: {  	[sflag:s15] =	ssyncset.done $0x0  }
0x10c: {  	[sflag:s15] =	ssyncadd.s32 $0xFFFFD800  }
0x10d: {  	_ =	swait.ge [sflag:s15], $0x2800  }
0x10e: {  	[sflag:s15] =	ssyncset.done $0x0  }
0x10f: {  	[sflag:s15] =	ssyncadd.s32 $0xFFFFD800  }
.Ltmp0:
0x110: {  	_ =	swait.ge [sflag:s15], $0x2800;
	(pc) =	sbr.rel @p0 .LBB2_2-.Ltmp0, $4  }
0x111: {  	[sflag:s15] =	ssyncset.done $0x0  }
0x112: {  	[sflag:s15] =	ssyncadd.s32 $0xFFFFD800  }
0x113: {  	_ =	swait.ge [sflag:s15], $0x2800  }
0x114: {  	s20 =	smov.u32 s17;
	s19 =	sshra.s32 s18, $0x2;
	[sflag:s15] =	ssyncset.done $0x0  }
0x115: {  	s17 =	sadd.s32 $0x14000, s19;
	[sflag:s15] =	ssyncadd.s32 $0xFFFFD800  }
0x116: {  	[spmem:s2] =	stream.indirect.scatter.add.f32 [tilespmem:s9], [sflag:$0x1], $0x80, s17, s14, $0xb8;
	[tilespmem:$0x1A800] =	vst v63  }
0x117: {  	s18 =	sadd.s32 $0x14080, s19  }
0x118: {  	[spmem:s2] =	stream.indirect.scatter.add.f32 [tilespmem:s9], [sflag:$0x1], $0x80, s18, s14, $0xb8;
	[tilespmem:$0x1A800] =	vst v63  }
0x119: {  	s20 =	sadd.s32 $0x14100, s19  }
0x11a: {  	[spmem:s2] =	stream.indirect.scatter.add.f32 [tilespmem:s9], [sflag:$0x1], $0x80, s20, s14, $0xb8;
	[tilespmem:$0x1A800] =	vst v63  }
0x11b: {  	s21 =	sadd.s32 $0x14180, s19  }
0x11c: {  	[spmem:s2] =	stream.indirect.scatter.add.f32 [tilespmem:s9], [sflag:$0x1], $0x80, s21, s14, $0xb8;
	[tilespmem:$0x1A800] =	vst v63  }
0x11d: {  	s22 =	sadd.s32 $0x14200, s19  }
0x11e: {  	[spmem:s2] =	stream.indirect.scatter.add.f32 [tilespmem:s9], [sflag:$0x1], $0x80, s22, s14, $0xb8;
	[tilespmem:$0x1A800] =	vst v63  }
0x11f: {  	s23 =	sadd.s32 $0x14280, s19  }
0x120: {  	[spmem:s2] =	stream.indirect.scatter.add.f32 [tilespmem:s9], [sflag:$0x1], $0x80, s23, s14, $0xb8;
	[tilespmem:$0x1A800] =	vst v63  }
0x121: {  	s24 =	sadd.s32 $0x14300, s19  }
0x122: {  	[spmem:s2] =	stream.indirect.scatter.add.f32 [tilespmem:s9], [sflag:$0x1], $0x80, s24, s14, $0xb8;
	[tilespmem:$0x1A800] =	vst v63  }
0x123: {  	s25 =	sadd.s32 $0x14380, s19  }
0x124: {  	[spmem:s2] =	stream.indirect.scatter.add.f32 [tilespmem:s9], [sflag:$0x1], $0x80, s25, s14, $0xb8;
	[tilespmem:$0x1A800] =	vst v63  }
0x125: {  	s26 =	sadd.s32 $0x14400, s19  }
0x126: {  	[spmem:s2] =	stream.indirect.scatter.add.f32 [tilespmem:s9], [sflag:$0x1], $0x80, s26, s14, $0xb8;
	[tilespmem:$0x1A800] =	vst v63  }
0x127: {  	s28 =	sadd.s32 $0x14480, s19  }
0x128: {  	[spmem:s2] =	stream.indirect.scatter.add.f32 [tilespmem:s9], [sflag:$0x1], $0x80, s28, s14, $0xb8;
	[tilespmem:$0x1A800] =	vst v63  }
0x129: {  	s29 =	sadd.s32 $0x14500, s19  }
0x12a: {  	[spmem:s2] =	stream.indirect.scatter.add.f32 [tilespmem:s9], [sflag:$0x1], $0x80, s29, s14, $0xb8;
	[tilespmem:$0x1A800] =	vst v63  }
0x12b: {  	s30 =	sadd.s32 $0x14580, s19  }
0x12c: {  	[spmem:s2] =	stream.indirect.scatter.add.f32 [tilespmem:s9], [sflag:$0x1], $0x80, s30, s14, $0xb8;
	[tilespmem:$0x1A800] =	vst v63  }
0x12d: {  	s31 =	sadd.s32 $0x14600, s19  }
0x12e: {  	[spmem:s2] =	stream.indirect.scatter.add.f32 [tilespmem:s9], [sflag:$0x1], $0x80, s31, s14, $0xb8;
	[tilespmem:$0x1A800] =	vst v63  }
0x12f: {  	s18 =	sadd.s32 $0x14680, s19  }
0x130: {  	[spmem:s2] =	stream.indirect.scatter.add.f32 [tilespmem:s9], [sflag:$0x1], $0x80, s18, s14, $0xb8;
	[tilespmem:$0x1A800] =	vst v63  }
0x131: {  	s20 =	sadd.s32 $0x14700, s19  }
0x132: {  	[spmem:s2] =	stream.indirect.scatter.add.f32 [tilespmem:s9], [sflag:$0x1], $0x80, s20, s14, $0xb8;
	[tilespmem:$0x1A800] =	vst v63  }
0x133: {  	s21 =	sadd.s32 $0x14780, s19  }
0x134: {  	[spmem:s2] =	stream.indirect.scatter.add.f32 [tilespmem:s9], [sflag:$0x1], $0x80, s21, s14, $0xb8;
	[tilespmem:$0x1A800] =	vst v63  }
0x135: {  	s22 =	sadd.s32 $0x14800, s19  }
0x136: {  	[spmem:s2] =	stream.indirect.scatter.add.f32 [tilespmem:s9], [sflag:$0x1], $0x80, s22, s14, $0xb8;
	[tilespmem:$0x1A800] =	vst v63  }
0x137: {  	s23 =	sadd.s32 $0x14880, s19  }
0x138: {  	[spmem:s2] =	stream.indirect.scatter.add.f32 [tilespmem:s9], [sflag:$0x1], $0x80, s23, s14, $0xb8;
	[tilespmem:$0x1A800] =	vst v63  }
0x139: {  	s24 =	sadd.s32 $0x14900, s19  }
0x13a: {  	[spmem:s2] =	stream.indirect.scatter.add.f32 [tilespmem:s9], [sflag:$0x1], $0x80, s24, s14, $0xb8;
	[tilespmem:$0x1A800] =	vst v63  }
0x13b: {  	s25 =	sadd.s32 $0x14980, s19  }
0x13c: {  	[spmem:s2] =	stream.indirect.scatter.add.f32 [tilespmem:s9], [sflag:$0x1], $0x80, s25, s14, $0xb8;
	[tilespmem:$0x1A800] =	vst v63  }
0x13d: {  	s26 =	sadd.s32 $0x14A00, s19  }
0x13e: {  	[spmem:s2] =	stream.indirect.scatter.add.f32 [tilespmem:s9], [sflag:$0x1], $0x80, s26, s14, $0xb8;
	[tilespmem:$0x1A800] =	vst v63  }
0x13f: {  	s28 =	sadd.s32 $0x14A80, s19  }
0x140: {  	[spmem:s2] =	stream.indirect.scatter.add.f32 [tilespmem:s9], [sflag:$0x1], $0x80, s28, s14, $0xb8;
	[tilespmem:$0x1A800] =	vst v63  }
0x141: {  	s29 =	sadd.s32 $0x14B00, s19  }
0x142: {  	[spmem:s2] =	stream.indirect.scatter.add.f32 [tilespmem:s9], [sflag:$0x1], $0x80, s29, s14, $0xb8;
	[tilespmem:$0x1A800] =	vst v63  }
0x143: {  	s30 =	sadd.s32 $0x14B80, s19  }
0x144: {  	[spmem:s2] =	stream.indirect.scatter.add.f32 [tilespmem:s9], [sflag:$0x1], $0x80, s30, s14, $0xb8;
	[tilespmem:$0x1A800] =	vst v63  }
0x145: {  	s31 =	sadd.s32 $0x14C00, s19  }
0x146: {  	[spmem:s2] =	stream.indirect.scatter.add.f32 [tilespmem:s9], [sflag:$0x1], $0x80, s31, s14, $0xb8;
	[tilespmem:$0x1A800] =	vst v63  }
0x147: {  	_ =	swait.ge [sflag:s15], $0x2800  }
0x148: {  	[sflag:s15] =	ssyncset.done $0x0  }
0x149: {  	[sflag:s15] =	ssyncadd.s32 $0xFFFFD800  }
0x14a: {  	_ =	swait.ge [sflag:s15], $0x2800  }
0x14b: {  	[sflag:s15] =	ssyncset.done $0x0  }
0x14c: {  	[sflag:s15] =	ssyncadd.s32 $0xFFFFD800  }
0x14d: {  	_ =	swait.ge [sflag:s15], $0x2800  }
0x14e: {  	[sflag:s15] =	ssyncset.done $0x0  }
0x14f: {  	[sflag:s15] =	ssyncadd.s32 $0xFFFFD800  }
0x150: {  	_ =	swait.ge [sflag:s15], $0x2800  }
0x151: {  	[sflag:s15] =	ssyncset.done $0x0  }
0x152: {  	[sflag:s15] =	ssyncadd.s32 $0xFFFFD800  }
0x153: {  	_ =	swait.ge [sflag:s15], $0x2800  }
0x154: {  	[sflag:s15] =	ssyncset.done $0x0  }
0x155: {  	[sflag:s15] =	ssyncadd.s32 $0xFFFFD800  }
0x156: {  	_ =	swait.ge [sflag:s15], $0x2800  }
0x157: {  	[sflag:s15] =	ssyncset.done $0x0  }
0x158: {  	[sflag:s15] =	ssyncadd.s32 $0xFFFFD800  }
0x159: {  	_ =	swait.ge [sflag:s15], $0x2800  }
0x15a: {  	[sflag:s15] =	ssyncset.done $0x0  }
0x15b: {  	[sflag:s15] =	ssyncadd.s32 $0xFFFFD800  }
0x15c: {  	_ =	swait.ge [sflag:s15], $0x2800  }
0x15d: {  	[sflag:s15] =	ssyncset.done $0x0  }
0x15e: {  	[sflag:s15] =	ssyncadd.s32 $0xFFFFD800  }
0x15f: {  	_ =	swait.ge [sflag:s15], $0x2800  }
0x160: {  	[sflag:s15] =	ssyncset.done $0x0  }
0x161: {  	[sflag:s15] =	ssyncadd.s32 $0xFFFFD800  }
0x162: {  	_ =	swait.ge [sflag:s15], $0x2800  }
0x163: {  	[sflag:s15] =	ssyncset.done $0x0  }
0x164: {  	[sflag:s15] =	ssyncadd.s32 $0xFFFFD800  }
0x165: {  	_ =	swait.ge [sflag:s15], $0x2800  }
0x166: {  	[sflag:s15] =	ssyncset.done $0x0  }
0x167: {  	[sflag:s15] =	ssyncadd.s32 $0xFFFFD800  }
0x168: {  	_ =	swait.ge [sflag:s15], $0x2800  }
0x169: {  	[sflag:s15] =	ssyncset.done $0x0  }
0x16a: {  	[sflag:s15] =	ssyncadd.s32 $0xFFFFD800  }
0x16b: {  	_ =	swait.ge [sflag:s15], $0x2800  }
0x16c: {  	[sflag:s15] =	ssyncset.done $0x0  }
0x16d: {  	[sflag:s15] =	ssyncadd.s32 $0xFFFFD800  }
0x16e: {  	_ =	swait.ge [sflag:s15], $0x2800  }
0x16f: {  	[sflag:s15] =	ssyncset.done $0x0  }
0x170: {  	[sflag:s15] =	ssyncadd.s32 $0xFFFFD800  }
0x171: {  	_ =	swait.ge [sflag:s15], $0x2800  }
0x172: {  	[sflag:s15] =	ssyncset.done $0x0  }
0x173: {  	[sflag:s15] =	ssyncadd.s32 $0xFFFFD800  }
0x174: {  	_ =	swait.ge [sflag:s15], $0x2800  }
0x175: {  	[sflag:s15] =	ssyncset.done $0x0  }
0x176: {  	[sflag:s15] =	ssyncadd.s32 $0xFFFFD800  }
0x177: {  	_ =	swait.ge [sflag:s15], $0x2800  }
0x178: {  	[sflag:s15] =	ssyncset.done $0x0  }
0x179: {  	[sflag:s15] =	ssyncadd.s32 $0xFFFFD800  }
0x17a: {  	_ =	swait.ge [sflag:s15], $0x2800  }
0x17b: {  	[sflag:s15] =	ssyncset.done $0x0  }
0x17c: {  	[sflag:s15] =	ssyncadd.s32 $0xFFFFD800  }
0x17d: {  	_ =	swait.ge [sflag:s15], $0x2800  }
0x17e: {  	[sflag:s15] =	ssyncset.done $0x0  }
0x17f: {  	[sflag:s15] =	ssyncadd.s32 $0xFFFFD800  }
0x180: {  	_ =	swait.ge [sflag:s15], $0x2800  }
0x181: {  	[sflag:s15] =	ssyncset.done $0x0  }
0x182: {  	[sflag:s15] =	ssyncadd.s32 $0xFFFFD800  }
0x183: {  	_ =	swait.ge [sflag:s15], $0x2800  }
0x184: {  	[sflag:s15] =	ssyncset.done $0x0  }
0x185: {  	[sflag:s15] =	ssyncadd.s32 $0xFFFFD800  }
0x186: {  	_ =	swait.ge [sflag:s15], $0x2800  }
0x187: {  	[sflag:s15] =	ssyncset.done $0x0  }
0x188: {  	[sflag:s15] =	ssyncadd.s32 $0xFFFFD800  }
0x189: {  	_ =	swait.ge [sflag:s15], $0x2800  }
0x18a: {  	[sflag:s15] =	ssyncset.done $0x0  }
0x18b: {  	[sflag:s15] =	ssyncadd.s32 $0xFFFFD800  }
0x18c: {  	_ =	swait.ge [sflag:s15], $0x2800  }
0x18d: {  	[sflag:s15] =	ssyncset.done $0x0  }
0x18e: {  	[sflag:s15] =	ssyncadd.s32 $0xFFFFD800  }
0x18f: {  	_ =	swait.ge [sflag:s15], $0x2800  }
0x190: {  	s16 =	sadd.s32 $0x1, s16;
	[sflag:s15] =	ssyncset.done $0x0  }
0x191: {  	p0 =	sne.s32 s16, s8;
	[sflag:s15] =	ssyncadd.s32 $0xFFFFD800  }
.Ltmp1:
0x192: {  	[bflag:$0x0] =	sbarrier.arrive $0xFFFF;
	(pc) =	sbr.rel @p0 .LBB2_1-.Ltmp1, $4  }
0x193: {  	[hbm:s7], [sflag:s12] =	dma.local [spmem:s13], $0x2800  }
0x194: {  	_ =	swait.ge [sflag:s10], $0x2800  }
0x195: {  	[sflag:s10] =	ssyncset.done $0x0  }
0x196: {  	[sflag:s10] =	ssyncadd.s32 $0xFFFFD800  }
0x197: {  	_ =	sfence.sel $0x180000  }
0x198: {  	[bflag:$0x0] =	sbarrier.arrive $0xFFFF  }
0x199: {  	p0 =	sne.s32 s0, $0x0;
	_ =	strace $0x90000047  }
0x19a: {  	s0 =	sadd.s32 @!p0 $0x100000, s1;
	[bflag:$0x2] =	sbarrier.arrive $0xFFFF  }
0x19b: {  	[sflag:s0] =	ssyncadd.tile.s32 @!p0 $0x1;
	_ =	shalt  }
.Lfunc_end2:
_tile_overlayer_lowered:
.L_overlay_start_2:
0x19c: {  	(tag) =	ssettag $0x2  }
0x19d: {  	s0 =	rddreg [dreg:$0x0];
	s2 =	stileid.u32  }
0x19e: {  	s1 =	rddreg [dreg:$0x1];
	p0 =	sne.s32 s2, $0x0  }
0x19f: {  	s3 =	rddreg [dreg:$0x2];
	[bflag:$0x3] =	sbarrier.arrive $0xFFFF;
	s2 =	simm.s32 @!p0 $0x1C02  }
0x1a0: {  	[timem:s3], [sflag:s2] =	dma.local @!p0 [hbm:s0], s1  }
0x1a1: {  	s0 =	simm.s32 @!p0 $0x2  }
0x1a2: {  	_ =	swait.ge @!p0 [sflag:s0], s1  }
0x1a3: {  	s1 =	ssub.s32 @!p0 $0x0, s1;
	[sflag:s0] =	ssyncset.done @!p0 $0x0  }
0x1a4: {  	[sflag:s0] =	ssyncadd.s32 @!p0 s1  }
0x1a5: {  	[bflag:$0x3] =	sbarrier.arrive $0xFFFF  }
0x1a6: {  	_ =	shalt  }

</sc_bundles>
